<compile_context>
chip_gen: v7x
topology: tpu7x:2x2x1
jax: 0.10.2.dev20260603
libtpu: 0.0.44.dev20260713+nightly
codegen_flags: <defaults>
</compile_context>

<pallas_src>
import functools

import jax
import jax.numpy as jnp
from jax import lax
from jax.experimental import pallas as pl
from jax.experimental.pallas import tpu as pltpu
from jax.experimental.pallas import tpu_sc as plsc

N = 10000
E = 320000
DF = 128
DH = 64

NC = 2
NS = 16
NW = NC * NS

NPAD = 10240
PAD_ROW = N
CHUNK = 128
NCH = 81
EPT = NCH * CHUNK
EPAD = NW * EPT
RPS = NPAD // NS

_mesh = plsc.VectorSubcoreMesh(
    core_axis_name="c", subcore_axis_name="s", num_cores=NC, num_subcores=NS)


def _wid():
    return lax.axis_index("c") * NS + lax.axis_index("s")


@functools.partial(
    pl.kernel,
    out_type=jax.ShapeDtypeStruct((NW, NPAD), jnp.float32),
    mesh=_mesh,
    compiler_params=pltpu.CompilerParams(needs_layout_passes=False),
    scratch_types=[
        pltpu.VMEM((NCH, CHUNK), jnp.int32),
        pltpu.VMEM((NPAD,), jnp.float32),
    ],
)
def _deg_kernel(dst_hbm, cnt_out, dst_v, cnt_v):
    w = _wid()
    pltpu.sync_copy(dst_hbm.at[:, w], dst_v)
    zero16 = jnp.zeros((16,), jnp.float32)
    ones16 = jnp.ones((16,), jnp.float32)

    def zbody(i, carry):
        cnt_v[pl.ds(i * 16, 16)] = zero16
        return carry

    lax.fori_loop(0, NPAD // 16, zbody, 0)

    def ebody(i, carry):
        idx = dst_v[i // 8, pl.ds((i % 8) * 16, 16)]
        plsc.addupdate_scatter(cnt_v, [idx], ones16)
        return carry

    lax.fori_loop(0, EPT // 16, ebody, 0)
    pltpu.sync_copy(cnt_v, cnt_out.at[w])


@functools.partial(
    pl.kernel,
    out_type=jax.ShapeDtypeStruct((NC, NPAD, DH), jnp.float32),
    mesh=_mesh,
    compiler_params=pltpu.CompilerParams(use_tc_tiling_on_sc=False),
    scratch_types=[
        pltpu.VMEM((NCH, CHUNK), jnp.int32),
        pltpu.VMEM((NCH, CHUNK), jnp.int32),
        pltpu.VMEM((CHUNK, DH), jnp.float32),
        pltpu.VMEM((CHUNK, DH), jnp.float32),
        pltpu.VMEM((CHUNK, DH), jnp.float32),
        pltpu.VMEM_SHARED((NPAD, DH), jnp.float32),
        pltpu.VMEM_SHARED((NPAD, DH), jnp.float32),
        pltpu.SemaphoreType.DMA,
        pltpu.SemaphoreType.DMA,
        pltpu.SemaphoreType.DMA,
        pltpu.SemaphoreType.DMA,
        pltpu.SemaphoreType.DMA,
        pltpu.SemaphoreType.DMA,
    ],
)
def _agg_kernel(table_hbm, src_hbm, dst_hbm, parts_out,
                src_v, dst_v, gbuf, gbuf_b, gbuf_c, table_sh, acc_sh,
                sem, sem_b, sem_c, ssem, ssem_b, ssem_c):
    c = lax.axis_index("c")
    s = lax.axis_index("s")
    w = c * NS + s
    pltpu.sync_copy(src_hbm.at[:, w], src_v)
    pltpu.sync_copy(dst_hbm.at[:, w], dst_v)

    base0 = s * RPS
    pltpu.sync_copy(table_hbm.at[pl.ds(base0, RPS)], table_sh.at[pl.ds(base0, RPS)])

    zero16 = jnp.zeros((16,), jnp.float32)

    def zbody(i, carry):
        for k in range(DH // 16):
            gbuf[i, pl.ds(k * 16, 16)] = zero16
        return carry

    lax.fori_loop(0, CHUNK, zbody, 0)
    for t in range(RPS // CHUNK):
        pltpu.sync_copy(gbuf, acc_sh.at[pl.ds(s * RPS + t * CHUNK, CHUNK)])
    plsc.subcore_barrier()

    GB = (gbuf, gbuf_b, gbuf_c)
    GS = (sem, sem_b, sem_c)
    SS = (ssem, ssem_b, ssem_c)
    pltpu.async_copy(table_sh.at[src_v.at[0]], GB[0], GS[0])
    pltpu.async_copy(table_sh.at[src_v.at[1]], GB[1], GS[1])

    def ebody(i, carry):
        for k in range(3):
            j = 3 * i + k
            nb = (k + 2) % 3
            if k == 0:
                @pl.when(i > 0)
                def _():
                    pltpu.make_async_copy(
                        GB[nb], acc_sh.at[dst_v.at[j - 1]], SS[nb]).wait()
            else:
                pltpu.make_async_copy(
                    GB[nb], acc_sh.at[dst_v.at[j - 1]], SS[nb]).wait()

            @pl.when(j + 2 < NCH)
            def _():
                pltpu.async_copy(
                    table_sh.at[src_v.at[jnp.minimum(j + 2, NCH - 1)]],
                    GB[nb], GS[nb])

            pltpu.make_async_copy(table_sh.at[src_v.at[j]], GB[k], GS[k]).wait()
            pltpu.async_copy(GB[k], acc_sh.at[dst_v.at[j]], SS[k], add=True)
        return carry

    lax.fori_loop(0, NCH // 3, ebody, 0)
    pltpu.make_async_copy(
        GB[(NCH - 1) % 3], acc_sh.at[dst_v.at[NCH - 1]],
        SS[(NCH - 1) % 3]).wait()
    plsc.subcore_barrier()

    pltpu.sync_copy(acc_sh.at[pl.ds(base0, RPS)], parts_out.at[c, pl.ds(base0, RPS)])


BR = 2048
GRID = NPAD // BR
BRV = 400
GRIDV = N // BRV


def _tcA1_body(x_ref, w_ref, h_ref):
    h = jnp.dot(x_ref[...], w_ref[...], preferred_element_type=jnp.float32)
    rows = lax.broadcasted_iota(jnp.int32, (BR,), 0) + pl.program_id(0) * BR
    h_ref[...] = jnp.where(rows[:, None] < N, h, 0.0)


def _tcA1(x, W1):
    return pl.pallas_call(
        _tcA1_body,
        grid=(GRID,),
        in_specs=[
            pl.BlockSpec((BR, DF), lambda i: (i, 0)),
            pl.BlockSpec((DF, DH), lambda i: (0, 0)),
        ],
        out_specs=pl.BlockSpec((BR, DH), lambda i: (i, 0)),
        out_shape=jax.ShapeDtypeStruct((NPAD, DH), jnp.float32),
    )(x, W1)


def _tcA2_body(h_ref, cnt_ref, hd_ref, d_ref):
    cnt = jnp.sum(cnt_ref[...], axis=0)
    dv = lax.rsqrt(cnt + 1.0)
    rows = lax.broadcasted_iota(jnp.int32, (BR,), 0) + pl.program_id(0) * BR
    dv = jnp.where(rows < N, dv, 0.0)
    hd_ref[...] = h_ref[...] * dv[:, None]
    d_ref[...] = dv[:, None]


def _tcA2(h, cnt):
    return pl.pallas_call(
        _tcA2_body,
        grid=(GRID,),
        in_specs=[
            pl.BlockSpec((BR, DH), lambda i: (i, 0)),
            pl.BlockSpec((NW, BR), lambda i: (0, i)),
        ],
        out_specs=[
            pl.BlockSpec((BR, DH), lambda i: (i, 0)),
            pl.BlockSpec((BR, 1), lambda i: (i, 0)),
        ],
        out_shape=[
            jax.ShapeDtypeStruct((NPAD, DH), jnp.float32),
            jax.ShapeDtypeStruct((NPAD, 1), jnp.float32),
        ],
    )(h, cnt)


def _tcB_body(p_ref, hd_ref, d_ref, b1_ref, w2_ref, emb_ref, gd_ref):
    dv = d_ref[...]
    emb = (p_ref[0] + p_ref[1] + hd_ref[...]) * dv + b1_ref[...]
    emb_ref[...] = emb
    r = jnp.maximum(emb, 0.0)
    g = jnp.dot(r, w2_ref[...], preferred_element_type=jnp.float32)
    gd_ref[...] = g * dv


def _tcB(p1, hd, d, b1, W2):
    return pl.pallas_call(
        _tcB_body,
        grid=(GRID,),
        in_specs=[
            pl.BlockSpec((NC, BR, DH), lambda i: (0, i, 0)),
            pl.BlockSpec((BR, DH), lambda i: (i, 0)),
            pl.BlockSpec((BR, 1), lambda i: (i, 0)),
            pl.BlockSpec((1, DH), lambda i: (0, 0)),
            pl.BlockSpec((DH, DH), lambda i: (0, 0)),
        ],
        out_specs=[
            pl.BlockSpec((BR, DH), lambda i: (i, 0)),
            pl.BlockSpec((BR, DH), lambda i: (i, 0)),
        ],
        out_shape=[
            jax.ShapeDtypeStruct((NPAD, DH), jnp.float32),
            jax.ShapeDtypeStruct((NPAD, DH), jnp.float32),
        ],
    )(p1, hd, d, b1, W2)


def _tcC_body(p_ref, gd_ref, d_ref, b2_ref, out_ref):
    logits = (p_ref[0] + p_ref[1] + gd_ref[...]) * d_ref[...] + b2_ref[...]
    m = jnp.max(logits, axis=1, keepdims=True)
    lse = jnp.log(jnp.sum(jnp.exp(logits - m), axis=1, keepdims=True)) + m
    out_ref[...] = logits - lse


def _tcC(p2, gd, d, b2):
    return pl.pallas_call(
        _tcC_body,
        grid=(GRID,),
        in_specs=[
            pl.BlockSpec((NC, BR, DH), lambda i: (0, i, 0)),
            pl.BlockSpec((BR, DH), lambda i: (i, 0)),
            pl.BlockSpec((BR, 1), lambda i: (i, 0)),
            pl.BlockSpec((1, DH), lambda i: (0, 0)),
        ],
        out_specs=pl.BlockSpec((BR, DH), lambda i: (i, 0)),
        out_shape=jax.ShapeDtypeStruct((NPAD, DH), jnp.float32),
    )(p2, gd, d, b2)


def kernel(x, edge_index, W1, b1, W2, b2):
    src = edge_index[0].astype(jnp.int32)
    dst = edge_index[1].astype(jnp.int32)
    padv = jnp.full((EPAD - E,), PAD_ROW, jnp.int32)
    srcp = jnp.concatenate([src, padv]).reshape(NCH, NW, CHUNK)
    dstp = jnp.concatenate([dst, padv]).reshape(NCH, NW, CHUNK)

    cnt = _deg_kernel(dstp)
    h = _tcA1(x, W1)
    hd, d = _tcA2(h, cnt)
    p1 = _agg_kernel(hd, srcp, dstp)
    emb, gd = _tcB(p1, hd, d, b1[None, :], W2)
    p2 = _agg_kernel(gd, srcp, dstp)
    logp = _tcC(p2, gd, d, b2[None, :])
    return logp[:N], emb[:N]

# --- scband reference (transcript-rebuilt; emitter-appended) ---
"""Pipeline reference for scband-gcn-46832323396048 (READ-ONLY COPY).

The authoritative reference and input builder live on the scoring server;
editing this copy changes nothing except your own understanding.
"""

import jax, jax.numpy as jnp
import numpy as np

N_NODES = 10000
N_EDGES = 320000
D_FEAT = 128
D_HID = 64
N_CLASSES = 64


def setup_inputs(seed: int = 0) -> dict:
    key = jax.random.key(seed)
    k1, k2, k3, k4, k5, k6 = jax.random.split(key, 6)
    x = jax.random.normal(k1, (N_NODES, D_FEAT), dtype=jnp.float32)
    edge_index = jax.random.randint(k2, (2, N_EDGES), 0, N_NODES, dtype=jnp.int64)
    # GCNConv parameters (glorot-style scaling)
    W1 = jax.random.normal(k3, (D_FEAT, D_HID), dtype=jnp.float32) / np.sqrt(D_FEAT)
    b1 = jnp.zeros((D_HID,), dtype=jnp.float32)
    W2 = jax.random.normal(k4, (D_HID, N_CLASSES), dtype=jnp.float32) / np.sqrt(D_HID)
    b2 = jnp.zeros((N_CLASSES,), dtype=jnp.float32)
    return {"x": x, "edge_index": edge_index, "W1": W1, "b1": b1, "W2": W2, "b2": b2}


def _gcn_conv(x, src, dst, norm, W, b, n_nodes):
    # x' = D^{-1/2} (A + I) D^{-1/2} (x W) + b  (PyG GCNConv, normalize=True, add_self_loops=True)
    h = x @ W
    msg = h[src] * norm[:, None]
    out = jax.ops.segment_sum(msg, dst, num_segments=n_nodes)
    return out + b


def reference(x, edge_index, W1, b1, W2, b2):
    n = x.shape[0]
    loops = jnp.arange(n, dtype=edge_index.dtype)
    src = jnp.concatenate([edge_index[0], loops])
    dst = jnp.concatenate([edge_index[1], loops])
    ew = jnp.ones(src.shape[0], dtype=x.dtype)
    deg = jax.ops.segment_sum(ew, dst, num_segments=n)
    deg_inv_sqrt = jnp.where(deg > 0, jax.lax.rsqrt(jnp.maximum(deg, 1e-12)), 0.0)
    norm = deg_inv_sqrt[src] * ew * deg_inv_sqrt[dst]
    # dropout is identity in eval mode
    embedding = _gcn_conv(x, src, dst, norm, W1, b1, n)
    h = jax.nn.relu(embedding)
    logits = _gcn_conv(h, src, dst, norm, W2, b2, n)
    return (jax.nn.log_softmax(logits, axis=1), embedding)

if __name__ == "__main__":
    import jax
    _d = setup_inputs()
    print(jax.jit(kernel)(*tuple(_d.values())))

</pallas_src>

<mosaic_0001>
#map = affine_map<(d0, d1) -> (0, 0)>
#map1 = affine_map<(d0, d1) -> (0, 0, 0)>
module attributes {stable_mosaic.version = 14 : i64} {
  func.func @_agg_kernel(%arg0: i32, %arg1: i32, %arg2: memref<10240x64xf32, #tpu.memory_space<hbm>>, %arg3: memref<81x32x128xi32, #tpu.memory_space<hbm>>, %arg4: memref<81x32x128xi32, #tpu.memory_space<hbm>>, %arg5: memref<2x10240x64xf32, #tpu.memory_space<hbm>>, %arg6: memref<81x128xi32, #tpu.memory_space<vmem>>, %arg7: memref<81x128xi32, #tpu.memory_space<vmem>>, %arg8: memref<128x64xf32, #tpu.memory_space<vmem>>, %arg9: memref<128x64xf32, #tpu.memory_space<vmem>>, %arg10: memref<128x64xf32, #tpu.memory_space<vmem>>, %arg11: memref<10240x64xf32, #tpu.memory_space<vmem_shared>>, %arg12: memref<10240x64xf32, #tpu.memory_space<vmem_shared>>, %arg13: memref<!tpu.dma_semaphore, #tpu.memory_space<semaphore_mem>>, %arg14: memref<!tpu.dma_semaphore, #tpu.memory_space<semaphore_mem>>, %arg15: memref<!tpu.dma_semaphore, #tpu.memory_space<semaphore_mem>>, %arg16: memref<!tpu.dma_semaphore, #tpu.memory_space<semaphore_mem>>, %arg17: memref<!tpu.dma_semaphore, #tpu.memory_space<semaphore_mem>>, %arg18: memref<!tpu.dma_semaphore, #tpu.memory_space<semaphore_mem>>) attributes {dimension_semantics = [#tpu.dimension_semantics<core_parallel>, #tpu.dimension_semantics<subcore_parallel>], iteration_bounds = array<i64: 2, 16>, scalar_prefetch = 0 : i64, scratch_operands = 13 : i64, tpu.core_type = #tpu.core_type<sc_vector_subcore>, window_params = [{transform_indices = #map}, {transform_indices = #map1}, {transform_indices = #map1}, {transform_indices = #map1}]} {
    %mul3A = arith.constant 16 : i32
    %mul3A_0 = arith.muli %arg0, %mul3A : i32
    %add3A = arith.addi %mul3A_0, %arg1 : i32
    "tpu.region"() ({
      %run_scoped3A = tpu.sem_alloc : memref<!tpu.dma_semaphore, #tpu.memory_space<semaphore_mem>>
      %dma_start3A_55 = arith.constant 0 : i32
      %dma_start3A_56 = arith.constant 0 : i32
      %dma_start3A_57 = tpu.memref_slice %arg3[%dma_start3A_55, %add3A, %dma_start3A_56] : memref<81x32x128xi32, #tpu.memory_space<hbm>> -> memref<81x1x128xi32, #tpu.memory_space<hbm>>
      %dma_start3A_58 = tpu.memref_squeeze %dma_start3A_57 : memref<81x1x128xi32, #tpu.memory_space<hbm>> -> memref<81x128xi32, #tpu.memory_space<hbm>>
      %dma_start3A_59 = arith.constant 0 : i32
      %dma_start3A_60 = arith.constant 0 : i32
      %dma_start3A_61 = tpu.memref_slice %arg3[%dma_start3A_59, %add3A, %dma_start3A_60] : memref<81x32x128xi32, #tpu.memory_space<hbm>> -> memref<81x1x128xi32, #tpu.memory_space<hbm>>
      %dma_start3A_62 = tpu.memref_squeeze %dma_start3A_61 : memref<81x1x128xi32, #tpu.memory_space<hbm>> -> memref<81x128xi32, #tpu.memory_space<hbm>>
      tpu.enqueue_dma source(%dma_start3A_62 : memref<81x128xi32, #tpu.memory_space<hbm>>) target(%arg6 : memref<81x128xi32, #tpu.memory_space<vmem>>) target_semaphore(%run_scoped3A : memref<!tpu.dma_semaphore, #tpu.memory_space<semaphore_mem>>)
      %dma_wait3A_63 = arith.constant 0 : i32
      %dma_wait3A_64 = arith.constant 0 : i32
      %dma_wait3A_65 = tpu.memref_slice %arg3[%dma_wait3A_63, %add3A, %dma_wait3A_64] : memref<81x32x128xi32, #tpu.memory_space<hbm>> -> memref<81x1x128xi32, #tpu.memory_space<hbm>>
      %dma_wait3A_66 = tpu.memref_squeeze %dma_wait3A_65 : memref<81x1x128xi32, #tpu.memory_space<hbm>> -> memref<81x128xi32, #tpu.memory_space<hbm>>
      %dma_wait3A_67 = arith.constant 0 : i32
      %dma_wait3A_68 = arith.constant 0 : i32
      %dma_wait3A_69 = tpu.memref_slice %arg3[%dma_wait3A_67, %add3A, %dma_wait3A_68] : memref<81x32x128xi32, #tpu.memory_space<hbm>> -> memref<81x1x128xi32, #tpu.memory_space<hbm>>
      %dma_wait3A_70 = tpu.memref_squeeze %dma_wait3A_69 : memref<81x1x128xi32, #tpu.memory_space<hbm>> -> memref<81x128xi32, #tpu.memory_space<hbm>>
      tpu.wait_dma2 semaphore(%run_scoped3A : memref<!tpu.dma_semaphore, #tpu.memory_space<semaphore_mem>>) src(%dma_wait3A_70 : memref<81x128xi32, #tpu.memory_space<hbm>>) dst(%arg6 : memref<81x128xi32, #tpu.memory_space<vmem>>)
      tpu.yield
    }) : () -> ()
    "tpu.region"() ({
      %run_scoped3A = tpu.sem_alloc : memref<!tpu.dma_semaphore, #tpu.memory_space<semaphore_mem>>
      %dma_start3A_55 = arith.constant 0 : i32
      %dma_start3A_56 = arith.constant 0 : i32
      %dma_start3A_57 = tpu.memref_slice %arg4[%dma_start3A_55, %add3A, %dma_start3A_56] : memref<81x32x128xi32, #tpu.memory_space<hbm>> -> memref<81x1x128xi32, #tpu.memory_space<hbm>>
      %dma_start3A_58 = tpu.memref_squeeze %dma_start3A_57 : memref<81x1x128xi32, #tpu.memory_space<hbm>> -> memref<81x128xi32, #tpu.memory_space<hbm>>
      %dma_start3A_59 = arith.constant 0 : i32
      %dma_start3A_60 = arith.constant 0 : i32
      %dma_start3A_61 = tpu.memref_slice %arg4[%dma_start3A_59, %add3A, %dma_start3A_60] : memref<81x32x128xi32, #tpu.memory_space<hbm>> -> memref<81x1x128xi32, #tpu.memory_space<hbm>>
      %dma_start3A_62 = tpu.memref_squeeze %dma_start3A_61 : memref<81x1x128xi32, #tpu.memory_space<hbm>> -> memref<81x128xi32, #tpu.memory_space<hbm>>
      tpu.enqueue_dma source(%dma_start3A_62 : memref<81x128xi32, #tpu.memory_space<hbm>>) target(%arg7 : memref<81x128xi32, #tpu.memory_space<vmem>>) target_semaphore(%run_scoped3A : memref<!tpu.dma_semaphore, #tpu.memory_space<semaphore_mem>>)
      %dma_wait3A_63 = arith.constant 0 : i32
      %dma_wait3A_64 = arith.constant 0 : i32
      %dma_wait3A_65 = tpu.memref_slice %arg4[%dma_wait3A_63, %add3A, %dma_wait3A_64] : memref<81x32x128xi32, #tpu.memory_space<hbm>> -> memref<81x1x128xi32, #tpu.memory_space<hbm>>
      %dma_wait3A_66 = tpu.memref_squeeze %dma_wait3A_65 : memref<81x1x128xi32, #tpu.memory_space<hbm>> -> memref<81x128xi32, #tpu.memory_space<hbm>>
      %dma_wait3A_67 = arith.constant 0 : i32
      %dma_wait3A_68 = arith.constant 0 : i32
      %dma_wait3A_69 = tpu.memref_slice %arg4[%dma_wait3A_67, %add3A, %dma_wait3A_68] : memref<81x32x128xi32, #tpu.memory_space<hbm>> -> memref<81x1x128xi32, #tpu.memory_space<hbm>>
      %dma_wait3A_70 = tpu.memref_squeeze %dma_wait3A_69 : memref<81x1x128xi32, #tpu.memory_space<hbm>> -> memref<81x128xi32, #tpu.memory_space<hbm>>
      tpu.wait_dma2 semaphore(%run_scoped3A : memref<!tpu.dma_semaphore, #tpu.memory_space<semaphore_mem>>) src(%dma_wait3A_70 : memref<81x128xi32, #tpu.memory_space<hbm>>) dst(%arg7 : memref<81x128xi32, #tpu.memory_space<vmem>>)
      tpu.yield
    }) : () -> ()
    %mul3A_1 = arith.constant 640 : i32
    %mul3A_2 = arith.muli %arg1, %mul3A_1 : i32
    "tpu.region"() ({
      %run_scoped3A = tpu.sem_alloc : memref<!tpu.dma_semaphore, #tpu.memory_space<semaphore_mem>>
      %dma_start3A_55 = arith.constant 0 : i32
      %dma_start3A_56 = tpu.memref_slice %arg11[%mul3A_2, %dma_start3A_55] : memref<10240x64xf32, #tpu.memory_space<vmem_shared>> -> memref<640x64xf32, #tpu.memory_space<vmem_shared>>
      %dma_start3A_57 = arith.constant 0 : i32
      %dma_start3A_58 = tpu.memref_slice %arg2[%mul3A_2, %dma_start3A_57] : memref<10240x64xf32, #tpu.memory_space<hbm>> -> memref<640x64xf32, #tpu.memory_space<hbm>>
      tpu.enqueue_dma source(%dma_start3A_58 : memref<640x64xf32, #tpu.memory_space<hbm>>) target(%dma_start3A_56 : memref<640x64xf32, #tpu.memory_space<vmem_shared>>) target_semaphore(%run_scoped3A : memref<!tpu.dma_semaphore, #tpu.memory_space<semaphore_mem>>)
      %dma_wait3A_59 = arith.constant 0 : i32
      %dma_wait3A_60 = tpu.memref_slice %arg11[%mul3A_2, %dma_wait3A_59] : memref<10240x64xf32, #tpu.memory_space<vmem_shared>> -> memref<640x64xf32, #tpu.memory_space<vmem_shared>>
      %dma_wait3A_61 = arith.constant 0 : i32
      %dma_wait3A_62 = tpu.memref_slice %arg2[%mul3A_2, %dma_wait3A_61] : memref<10240x64xf32, #tpu.memory_space<hbm>> -> memref<640x64xf32, #tpu.memory_space<hbm>>
      tpu.wait_dma2 semaphore(%run_scoped3A : memref<!tpu.dma_semaphore, #tpu.memory_space<semaphore_mem>>) src(%dma_wait3A_62 : memref<640x64xf32, #tpu.memory_space<hbm>>) dst(%dma_wait3A_60 : memref<640x64xf32, #tpu.memory_space<vmem_shared>>)
      tpu.yield
    }) : () -> ()
    %broadcast_in_dim3A = arith.constant 0.000000e+00 : f32
    %broadcast_in_dim3A_3 = vector.broadcast %broadcast_in_dim3A : f32 to vector<16xf32>
    %scan3A = arith.constant 0 : i32
    %scan3A_4 = arith.constant 0 : i32
    %scan3A_5 = arith.constant 128 : i32
    %scan3A_6 = arith.addi %scan3A_4, %scan3A_5 : i32
    %scan3A_7 = arith.constant 1 : i32
    scf.for %scan3A_55 = %scan3A_4 to %scan3A_6 step %scan3A_7  : i32 {
      %swap3A = arith.index_cast %scan3A_55 : i32 to index
      %swap3A_56 = arith.constant 0 : index
      %swap3A_57 = tpu.vector_load %arg8[%swap3A, %swap3A_56] {strides = array<i32>} : memref<128x64xf32, #tpu.memory_space<vmem>>, vector<1x16xf32>,
      %swap3A_58 = vector.shape_cast %swap3A_57 : vector<1x16xf32> to vector<16xf32>
      %swap3A_59 = vector.shape_cast %broadcast_in_dim3A_3 : vector<16xf32> to vector<1x16xf32>
      tpu.vector_store %arg8[%swap3A, %swap3A_56], %swap3A_59 {strides = array<i32>} : memref<128x64xf32, #tpu.memory_space<vmem>>, vector<1x16xf32>,
      %swap3A_60 = arith.index_cast %scan3A_55 : i32 to index
      %swap3A_61 = arith.constant 16 : index
      %swap3A_62 = tpu.vector_load %arg8[%swap3A_60, %swap3A_61] {strides = array<i32>} : memref<128x64xf32, #tpu.memory_space<vmem>>, vector<1x16xf32>,
      %swap3A_63 = vector.shape_cast %swap3A_62 : vector<1x16xf32> to vector<16xf32>
      %swap3A_64 = vector.shape_cast %broadcast_in_dim3A_3 : vector<16xf32> to vector<1x16xf32>
      tpu.vector_store %arg8[%swap3A_60, %swap3A_61], %swap3A_64 {strides = array<i32>} : memref<128x64xf32, #tpu.memory_space<vmem>>, vector<1x16xf32>,
      %swap3A_65 = arith.index_cast %scan3A_55 : i32 to index
      %swap3A_66 = arith.constant 32 : index
      %swap3A_67 = tpu.vector_load %arg8[%swap3A_65, %swap3A_66] {strides = array<i32>} : memref<128x64xf32, #tpu.memory_space<vmem>>, vector<1x16xf32>,
      %swap3A_68 = vector.shape_cast %swap3A_67 : vector<1x16xf32> to vector<16xf32>
      %swap3A_69 = vector.shape_cast %broadcast_in_dim3A_3 : vector<16xf32> to vector<1x16xf32>
      tpu.vector_store %arg8[%swap3A_65, %swap3A_66], %swap3A_69 {strides = array<i32>} : memref<128x64xf32, #tpu.memory_space<vmem>>, vector<1x16xf32>,
      %swap3A_70 = arith.index_cast %scan3A_55 : i32 to index
      %swap3A_71 = arith.constant 48 : index
      %swap3A_72 = tpu.vector_load %arg8[%swap3A_70, %swap3A_71] {strides = array<i32>} : memref<128x64xf32, #tpu.memory_space<vmem>>, vector<1x16xf32>,
      %swap3A_73 = vector.shape_cast %swap3A_72 : vector<1x16xf32> to vector<16xf32>
      %swap3A_74 = vector.shape_cast %broadcast_in_dim3A_3 : vector<16xf32> to vector<1x16xf32>
      tpu.vector_store %arg8[%swap3A_70, %swap3A_71], %swap3A_74 {strides = array<i32>} : memref<128x64xf32, #tpu.memory_space<vmem>>, vector<1x16xf32>,
    }
    %scan3A_8 = arith.constant 128 : i32
    %mul3A_9 = arith.constant 640 : i32
    %mul3A_10 = arith.muli %arg1, %mul3A_9 : i32
    %add3A_11 = arith.constant 0 : i32
    %add3A_12 = arith.addi %mul3A_10, %add3A_11 : i32
    "tpu.region"() ({
      %run_scoped3A = tpu.sem_alloc : memref<!tpu.dma_semaphore, #tpu.memory_space<semaphore_mem>>
      %dma_start3A_55 = arith.constant 0 : i32
      %dma_start3A_56 = tpu.memref_slice %arg12[%add3A_12, %dma_start3A_55] : memref<10240x64xf32, #tpu.memory_space<vmem_shared>> -> memref<128x64xf32, #tpu.memory_space<vmem_shared>>
      %dma_start3A_57 = arith.constant 0 : i32
      %dma_start3A_58 = tpu.memref_slice %arg12[%add3A_12, %dma_start3A_57] : memref<10240x64xf32, #tpu.memory_space<vmem_shared>> -> memref<128x64xf32, #tpu.memory_space<vmem_shared>>
      tpu.enqueue_dma source(%arg8 : memref<128x64xf32, #tpu.memory_space<vmem>>) target(%dma_start3A_58 : memref<128x64xf32, #tpu.memory_space<vmem_shared>>) target_semaphore(%run_scoped3A : memref<!tpu.dma_semaphore, #tpu.memory_space<semaphore_mem>>)
      %dma_wait3A_59 = arith.constant 0 : i32
      %dma_wait3A_60 = tpu.memref_slice %arg12[%add3A_12, %dma_wait3A_59] : memref<10240x64xf32, #tpu.memory_space<vmem_shared>> -> memref<128x64xf32, #tpu.memory_space<vmem_shared>>
      %dma_wait3A_61 = arith.constant 0 : i32
      %dma_wait3A_62 = tpu.memref_slice %arg12[%add3A_12, %dma_wait3A_61] : memref<10240x64xf32, #tpu.memory_space<vmem_shared>> -> memref<128x64xf32, #tpu.memory_space<vmem_shared>>
      tpu.wait_dma2 semaphore(%run_scoped3A : memref<!tpu.dma_semaphore, #tpu.memory_space<semaphore_mem>>) src(%arg8 : memref<128x64xf32, #tpu.memory_space<vmem>>) dst(%dma_wait3A_62 : memref<128x64xf32, #tpu.memory_space<vmem_shared>>)
      tpu.yield
    }) : () -> ()
    %mul3A_13 = arith.constant 640 : i32
    %mul3A_14 = arith.muli %arg1, %mul3A_13 : i32
    %add3A_15 = arith.constant 128 : i32
    %add3A_16 = arith.addi %mul3A_14, %add3A_15 : i32
    "tpu.region"() ({
      %run_scoped3A = tpu.sem_alloc : memref<!tpu.dma_semaphore, #tpu.memory_space<semaphore_mem>>
      %dma_start3A_55 = arith.constant 0 : i32
      %dma_start3A_56 = tpu.memref_slice %arg12[%add3A_16, %dma_start3A_55] : memref<10240x64xf32, #tpu.memory_space<vmem_shared>> -> memref<128x64xf32, #tpu.memory_space<vmem_shared>>
      %dma_start3A_57 = arith.constant 0 : i32
      %dma_start3A_58 = tpu.memref_slice %arg12[%add3A_16, %dma_start3A_57] : memref<10240x64xf32, #tpu.memory_space<vmem_shared>> -> memref<128x64xf32, #tpu.memory_space<vmem_shared>>
      tpu.enqueue_dma source(%arg8 : memref<128x64xf32, #tpu.memory_space<vmem>>) target(%dma_start3A_58 : memref<128x64xf32, #tpu.memory_space<vmem_shared>>) target_semaphore(%run_scoped3A : memref<!tpu.dma_semaphore, #tpu.memory_space<semaphore_mem>>)
      %dma_wait3A_59 = arith.constant 0 : i32
      %dma_wait3A_60 = tpu.memref_slice %arg12[%add3A_16, %dma_wait3A_59] : memref<10240x64xf32, #tpu.memory_space<vmem_shared>> -> memref<128x64xf32, #tpu.memory_space<vmem_shared>>
      %dma_wait3A_61 = arith.constant 0 : i32
      %dma_wait3A_62 = tpu.memref_slice %arg12[%add3A_16, %dma_wait3A_61] : memref<10240x64xf32, #tpu.memory_space<vmem_shared>> -> memref<128x64xf32, #tpu.memory_space<vmem_shared>>
      tpu.wait_dma2 semaphore(%run_scoped3A : memref<!tpu.dma_semaphore, #tpu.memory_space<semaphore_mem>>) src(%arg8 : memref<128x64xf32, #tpu.memory_space<vmem>>) dst(%dma_wait3A_62 : memref<128x64xf32, #tpu.memory_space<vmem_shared>>)
      tpu.yield
    }) : () -> ()
    %mul3A_17 = arith.constant 640 : i32
    %mul3A_18 = arith.muli %arg1, %mul3A_17 : i32
    %add3A_19 = arith.constant 256 : i32
    %add3A_20 = arith.addi %mul3A_18, %add3A_19 : i32
    "tpu.region"() ({
      %run_scoped3A = tpu.sem_alloc : memref<!tpu.dma_semaphore, #tpu.memory_space<semaphore_mem>>
      %dma_start3A_55 = arith.constant 0 : i32
      %dma_start3A_56 = tpu.memref_slice %arg12[%add3A_20, %dma_start3A_55] : memref<10240x64xf32, #tpu.memory_space<vmem_shared>> -> memref<128x64xf32, #tpu.memory_space<vmem_shared>>
      %dma_start3A_57 = arith.constant 0 : i32
      %dma_start3A_58 = tpu.memref_slice %arg12[%add3A_20, %dma_start3A_57] : memref<10240x64xf32, #tpu.memory_space<vmem_shared>> -> memref<128x64xf32, #tpu.memory_space<vmem_shared>>
      tpu.enqueue_dma source(%arg8 : memref<128x64xf32, #tpu.memory_space<vmem>>) target(%dma_start3A_58 : memref<128x64xf32, #tpu.memory_space<vmem_shared>>) target_semaphore(%run_scoped3A : memref<!tpu.dma_semaphore, #tpu.memory_space<semaphore_mem>>)
      %dma_wait3A_59 = arith.constant 0 : i32
      %dma_wait3A_60 = tpu.memref_slice %arg12[%add3A_20, %dma_wait3A_59] : memref<10240x64xf32, #tpu.memory_space<vmem_shared>> -> memref<128x64xf32, #tpu.memory_space<vmem_shared>>
      %dma_wait3A_61 = arith.constant 0 : i32
      %dma_wait3A_62 = tpu.memref_slice %arg12[%add3A_20, %dma_wait3A_61] : memref<10240x64xf32, #tpu.memory_space<vmem_shared>> -> memref<128x64xf32, #tpu.memory_space<vmem_shared>>
      tpu.wait_dma2 semaphore(%run_scoped3A : memref<!tpu.dma_semaphore, #tpu.memory_space<semaphore_mem>>) src(%arg8 : memref<128x64xf32, #tpu.memory_space<vmem>>) dst(%dma_wait3A_62 : memref<128x64xf32, #tpu.memory_space<vmem_shared>>)
      tpu.yield
    }) : () -> ()
    %mul3A_21 = arith.constant 640 : i32
    %mul3A_22 = arith.muli %arg1, %mul3A_21 : i32
    %add3A_23 = arith.constant 384 : i32
    %add3A_24 = arith.addi %mul3A_22, %add3A_23 : i32
    "tpu.region"() ({
      %run_scoped3A = tpu.sem_alloc : memref<!tpu.dma_semaphore, #tpu.memory_space<semaphore_mem>>
      %dma_start3A_55 = arith.constant 0 : i32
      %dma_start3A_56 = tpu.memref_slice %arg12[%add3A_24, %dma_start3A_55] : memref<10240x64xf32, #tpu.memory_space<vmem_shared>> -> memref<128x64xf32, #tpu.memory_space<vmem_shared>>
      %dma_start3A_57 = arith.constant 0 : i32
      %dma_start3A_58 = tpu.memref_slice %arg12[%add3A_24, %dma_start3A_57] : memref<10240x64xf32, #tpu.memory_space<vmem_shared>> -> memref<128x64xf32, #tpu.memory_space<vmem_shared>>
      tpu.enqueue_dma source(%arg8 : memref<128x64xf32, #tpu.memory_space<vmem>>) target(%dma_start3A_58 : memref<128x64xf32, #tpu.memory_space<vmem_shared>>) target_semaphore(%run_scoped3A : memref<!tpu.dma_semaphore, #tpu.memory_space<semaphore_mem>>)
      %dma_wait3A_59 = arith.constant 0 : i32
      %dma_wait3A_60 = tpu.memref_slice %arg12[%add3A_24, %dma_wait3A_59] : memref<10240x64xf32, #tpu.memory_space<vmem_shared>> -> memref<128x64xf32, #tpu.memory_space<vmem_shared>>
      %dma_wait3A_61 = arith.constant 0 : i32
      %dma_wait3A_62 = tpu.memref_slice %arg12[%add3A_24, %dma_wait3A_61] : memref<10240x64xf32, #tpu.memory_space<vmem_shared>> -> memref<128x64xf32, #tpu.memory_space<vmem_shared>>
      tpu.wait_dma2 semaphore(%run_scoped3A : memref<!tpu.dma_semaphore, #tpu.memory_space<semaphore_mem>>) src(%arg8 : memref<128x64xf32, #tpu.memory_space<vmem>>) dst(%dma_wait3A_62 : memref<128x64xf32, #tpu.memory_space<vmem_shared>>)
      tpu.yield
    }) : () -> ()
    %mul3A_25 = arith.constant 640 : i32
    %mul3A_26 = arith.muli %arg1, %mul3A_25 : i32
    %add3A_27 = arith.constant 512 : i32
    %add3A_28 = arith.addi %mul3A_26, %add3A_27 : i32
    "tpu.region"() ({
      %run_scoped3A = tpu.sem_alloc : memref<!tpu.dma_semaphore, #tpu.memory_space<semaphore_mem>>
      %dma_start3A_55 = arith.constant 0 : i32
      %dma_start3A_56 = tpu.memref_slice %arg12[%add3A_28, %dma_start3A_55] : memref<10240x64xf32, #tpu.memory_space<vmem_shared>> -> memref<128x64xf32, #tpu.memory_space<vmem_shared>>
      %dma_start3A_57 = arith.constant 0 : i32
      %dma_start3A_58 = tpu.memref_slice %arg12[%add3A_28, %dma_start3A_57] : memref<10240x64xf32, #tpu.memory_space<vmem_shared>> -> memref<128x64xf32, #tpu.memory_space<vmem_shared>>
      tpu.enqueue_dma source(%arg8 : memref<128x64xf32, #tpu.memory_space<vmem>>) target(%dma_start3A_58 : memref<128x64xf32, #tpu.memory_space<vmem_shared>>) target_semaphore(%run_scoped3A : memref<!tpu.dma_semaphore, #tpu.memory_space<semaphore_mem>>)
      %dma_wait3A_59 = arith.constant 0 : i32
      %dma_wait3A_60 = tpu.memref_slice %arg12[%add3A_28, %dma_wait3A_59] : memref<10240x64xf32, #tpu.memory_space<vmem_shared>> -> memref<128x64xf32, #tpu.memory_space<vmem_shared>>
      %dma_wait3A_61 = arith.constant 0 : i32
      %dma_wait3A_62 = tpu.memref_slice %arg12[%add3A_28, %dma_wait3A_61] : memref<10240x64xf32, #tpu.memory_space<vmem_shared>> -> memref<128x64xf32, #tpu.memory_space<vmem_shared>>
      tpu.wait_dma2 semaphore(%run_scoped3A : memref<!tpu.dma_semaphore, #tpu.memory_space<semaphore_mem>>) src(%arg8 : memref<128x64xf32, #tpu.memory_space<vmem>>) dst(%dma_wait3A_62 : memref<128x64xf32, #tpu.memory_space<vmem_shared>>)
      tpu.yield
    }) : () -> ()
    %barrier3A = arith.constant 0 : index
    tpu.barrier barrier_id(%barrier3A)
    %dma_start3A = arith.constant 0 : i32
    %dma_start3A_29 = arith.constant 0 : i32
    %dma_start3A_30 = tpu.memref_slice %arg6[%dma_start3A, %dma_start3A_29] : memref<81x128xi32, #tpu.memory_space<vmem>> -> memref<1x128xi32, #tpu.memory_space<vmem>>
    %dma_start3A_31 = tpu.memref_squeeze %dma_start3A_30 : memref<1x128xi32, #tpu.memory_space<vmem>> -> memref<128xi32, #tpu.memory_space<vmem>>
    %dma_start3A_32 = arith.constant 0 : i32
    %dma_start3A_33 = arith.constant 0 : i32
    %dma_start3A_34 = tpu.memref_slice %arg11[%dma_start3A_32, %dma_start3A_33] : memref<10240x64xf32, #tpu.memory_space<vmem_shared>> -> memref<10240x64xf32, #tpu.memory_space<vmem_shared>>
    tpu.enqueue_indirect_dma source(%dma_start3A_34 : memref<10240x64xf32, #tpu.memory_space<vmem_shared>>) target(%arg8 : memref<128x64xf32, #tpu.memory_space<vmem>>) offsets(%dma_start3A_31 : memref<128xi32, #tpu.memory_space<vmem>>) semaphore(%arg13 : memref<!tpu.dma_semaphore, #tpu.memory_space<semaphore_mem>>)
    %dma_start3A_35 = arith.constant 1 : i32
    %dma_start3A_36 = arith.constant 0 : i32
    %dma_start3A_37 = tpu.memref_slice %arg6[%dma_start3A_35, %dma_start3A_36] : memref<81x128xi32, #tpu.memory_space<vmem>> -> memref<1x128xi32, #tpu.memory_space<vmem>>
    %dma_start3A_38 = tpu.memref_squeeze %dma_start3A_37 : memref<1x128xi32, #tpu.memory_space<vmem>> -> memref<128xi32, #tpu.memory_space<vmem>>
    %dma_start3A_39 = arith.constant 0 : i32
    %dma_start3A_40 = arith.constant 0 : i32
    %dma_start3A_41 = tpu.memref_slice %arg11[%dma_start3A_39, %dma_start3A_40] : memref<10240x64xf32, #tpu.memory_space<vmem_shared>> -> memref<10240x64xf32, #tpu.memory_space<vmem_shared>>
    tpu.enqueue_indirect_dma source(%dma_start3A_41 : memref<10240x64xf32, #tpu.memory_space<vmem_shared>>) target(%arg9 : memref<128x64xf32, #tpu.memory_space<vmem>>) offsets(%dma_start3A_38 : memref<128xi32, #tpu.memory_space<vmem>>) semaphore(%arg14 : memref<!tpu.dma_semaphore, #tpu.memory_space<semaphore_mem>>)
    %scan3A_42 = arith.constant 0 : i32
    %scan3A_43 = arith.constant 0 : i32
    %scan3A_44 = arith.constant 27 : i32
    %scan3A_45 = arith.addi %scan3A_43, %scan3A_44 : i32
    %scan3A_46 = arith.constant 1 : i32
    scf.for %scan3A_55 = %scan3A_43 to %scan3A_45 step %scan3A_46  : i32 {
      %mul3A_56 = arith.constant 3 : i32
      %mul3A_57 = arith.muli %mul3A_56, %scan3A_55 : i32
      %add3A_58 = arith.constant 0 : i32
      %add3A_59 = arith.addi %mul3A_57, %add3A_58 : i32
      %gt3A = arith.constant 0 : i32
      %gt3A_60 = arith.cmpi sgt, %scan3A_55, %gt3A : i32
      %convert_element_type3A = arith.extui %gt3A_60 : i1 to i32
      %cond3A = arith.constant 0 : i32
      %cond3A_61 = arith.cmpi ne, %convert_element_type3A, %cond3A : i32
      scf.if %cond3A_61 {
        %sub3A_141 = arith.constant 1 : i32
        %sub3A_142 = arith.subi %add3A_59, %sub3A_141 : i32
        %dma_wait3A_143 = arith.constant 0 : i32
        %dma_wait3A_144 = tpu.memref_slice %arg7[%sub3A_142, %dma_wait3A_143] : memref<81x128xi32, #tpu.memory_space<vmem>> -> memref<1x128xi32, #tpu.memory_space<vmem>>
        %dma_wait3A_145 = tpu.memref_squeeze %dma_wait3A_144 : memref<1x128xi32, #tpu.memory_space<vmem>> -> memref<128xi32, #tpu.memory_space<vmem>>
        %dma_wait3A_146 = arith.constant 0 : i32
        %dma_wait3A_147 = arith.constant 0 : i32
        %dma_wait3A_148 = tpu.memref_slice %arg12[%dma_wait3A_146, %dma_wait3A_147] : memref<10240x64xf32, #tpu.memory_space<vmem_shared>> -> memref<10240x64xf32, #tpu.memory_space<vmem_shared>>
        tpu.wait_indirect_dma semaphore(%arg18 : memref<!tpu.dma_semaphore, #tpu.memory_space<semaphore_mem>>) src(%arg10 : memref<128x64xf32, #tpu.memory_space<vmem>>) dst(%dma_wait3A_148 : memref<10240x64xf32, #tpu.memory_space<vmem_shared>>)
      } else {
      }
      %add3A_62 = arith.constant 2 : i32
      %add3A_63 = arith.addi %add3A_59, %add3A_62 : i32
      %lt3A = arith.constant 81 : i32
      %lt3A_64 = arith.cmpi slt, %add3A_63, %lt3A : i32
      %convert_element_type3A_65 = arith.extui %lt3A_64 : i1 to i32
      %cond3A_66 = arith.constant 0 : i32
      %cond3A_67 = arith.cmpi ne, %convert_element_type3A_65, %cond3A_66 : i32
      scf.if %cond3A_67 {
        %add3A_141 = arith.constant 2 : i32
        %add3A_142 = arith.addi %add3A_59, %add3A_141 : i32
        %min3A = arith.constant 80 : i32
        %min3A_143 = arith.minsi %add3A_142, %min3A : i32
        %dma_start3A_144 = arith.constant 0 : i32
        %dma_start3A_145 = tpu.memref_slice %arg6[%min3A_143, %dma_start3A_144] : memref<81x128xi32, #tpu.memory_space<vmem>> -> memref<1x128xi32, #tpu.memory_space<vmem>>
        %dma_start3A_146 = tpu.memref_squeeze %dma_start3A_145 : memref<1x128xi32, #tpu.memory_space<vmem>> -> memref<128xi32, #tpu.memory_space<vmem>>
        %dma_start3A_147 = arith.constant 0 : i32
        %dma_start3A_148 = arith.constant 0 : i32
        %dma_start3A_149 = tpu.memref_slice %arg11[%dma_start3A_147, %dma_start3A_148] : memref<10240x64xf32, #tpu.memory_space<vmem_shared>> -> memref<10240x64xf32, #tpu.memory_space<vmem_shared>>
        tpu.enqueue_indirect_dma source(%dma_start3A_149 : memref<10240x64xf32, #tpu.memory_space<vmem_shared>>) target(%arg10 : memref<128x64xf32, #tpu.memory_space<vmem>>) offsets(%dma_start3A_146 : memref<128xi32, #tpu.memory_space<vmem>>) semaphore(%arg15 : memref<!tpu.dma_semaphore, #tpu.memory_space<semaphore_mem>>)
      } else {
      }
      %dma_wait3A_68 = arith.constant 0 : i32
      %dma_wait3A_69 = tpu.memref_slice %arg6[%add3A_59, %dma_wait3A_68] : memref<81x128xi32, #tpu.memory_space<vmem>> -> memref<1x128xi32, #tpu.memory_space<vmem>>
      %dma_wait3A_70 = tpu.memref_squeeze %dma_wait3A_69 : memref<1x128xi32, #tpu.memory_space<vmem>> -> memref<128xi32, #tpu.memory_space<vmem>>
      %dma_wait3A_71 = arith.constant 0 : i32
      %dma_wait3A_72 = arith.constant 0 : i32
      %dma_wait3A_73 = tpu.memref_slice %arg11[%dma_wait3A_71, %dma_wait3A_72] : memref<10240x64xf32, #tpu.memory_space<vmem_shared>> -> memref<10240x64xf32, #tpu.memory_space<vmem_shared>>
      tpu.wait_indirect_dma semaphore(%arg13 : memref<!tpu.dma_semaphore, #tpu.memory_space<semaphore_mem>>) src(%dma_wait3A_73 : memref<10240x64xf32, #tpu.memory_space<vmem_shared>>) dst(%arg8 : memref<128x64xf32, #tpu.memory_space<vmem>>)
      %dma_start3A_74 = arith.constant 0 : i32
      %dma_start3A_75 = tpu.memref_slice %arg7[%add3A_59, %dma_start3A_74] : memref<81x128xi32, #tpu.memory_space<vmem>> -> memref<1x128xi32, #tpu.memory_space<vmem>>
      %dma_start3A_76 = tpu.memref_squeeze %dma_start3A_75 : memref<1x128xi32, #tpu.memory_space<vmem>> -> memref<128xi32, #tpu.memory_space<vmem>>
      %dma_start3A_77 = arith.constant 0 : i32
      %dma_start3A_78 = arith.constant 0 : i32
      %dma_start3A_79 = tpu.memref_slice %arg12[%dma_start3A_77, %dma_start3A_78] : memref<10240x64xf32, #tpu.memory_space<vmem_shared>> -> memref<10240x64xf32, #tpu.memory_space<vmem_shared>>
      tpu.enqueue_indirect_dma source(%arg8 : memref<128x64xf32, #tpu.memory_space<vmem>>) target(%dma_start3A_79 : memref<10240x64xf32, #tpu.memory_space<vmem_shared>>) offsets(%dma_start3A_76 : memref<128xi32, #tpu.memory_space<vmem>>) semaphore(%arg16 : memref<!tpu.dma_semaphore, #tpu.memory_space<semaphore_mem>>) {add = true}
      %mul3A_80 = arith.constant 3 : i32
      %mul3A_81 = arith.muli %mul3A_80, %scan3A_55 : i32
      %add3A_82 = arith.constant 1 : i32
      %add3A_83 = arith.addi %mul3A_81, %add3A_82 : i32
      %sub3A = arith.constant 1 : i32
      %sub3A_84 = arith.subi %add3A_83, %sub3A : i32
      %dma_wait3A_85 = arith.constant 0 : i32
      %dma_wait3A_86 = tpu.memref_slice %arg7[%sub3A_84, %dma_wait3A_85] : memref<81x128xi32, #tpu.memory_space<vmem>> -> memref<1x128xi32, #tpu.memory_space<vmem>>
      %dma_wait3A_87 = tpu.memref_squeeze %dma_wait3A_86 : memref<1x128xi32, #tpu.memory_space<vmem>> -> memref<128xi32, #tpu.memory_space<vmem>>
      %dma_wait3A_88 = arith.constant 0 : i32
      %dma_wait3A_89 = arith.constant 0 : i32
      %dma_wait3A_90 = tpu.memref_slice %arg12[%dma_wait3A_88, %dma_wait3A_89] : memref<10240x64xf32, #tpu.memory_space<vmem_shared>> -> memref<10240x64xf32, #tpu.memory_space<vmem_shared>>
      tpu.wait_indirect_dma semaphore(%arg16 : memref<!tpu.dma_semaphore, #tpu.memory_space<semaphore_mem>>) src(%arg8 : memref<128x64xf32, #tpu.memory_space<vmem>>) dst(%dma_wait3A_90 : memref<10240x64xf32, #tpu.memory_space<vmem_shared>>)
      %add3A_91 = arith.constant 2 : i32
      %add3A_92 = arith.addi %add3A_83, %add3A_91 : i32
      %lt3A_93 = arith.constant 81 : i32
      %lt3A_94 = arith.cmpi slt, %add3A_92, %lt3A_93 : i32
      %convert_element_type3A_95 = arith.extui %lt3A_94 : i1 to i32
      %cond3A_96 = arith.constant 0 : i32
      %cond3A_97 = arith.cmpi ne, %convert_element_type3A_95, %cond3A_96 : i32
      scf.if %cond3A_97 {
        %add3A_141 = arith.constant 2 : i32
        %add3A_142 = arith.addi %add3A_83, %add3A_141 : i32
        %min3A = arith.constant 80 : i32
        %min3A_143 = arith.minsi %add3A_142, %min3A : i32
        %dma_start3A_144 = arith.constant 0 : i32
        %dma_start3A_145 = tpu.memref_slice %arg6[%min3A_143, %dma_start3A_144] : memref<81x128xi32, #tpu.memory_space<vmem>> -> memref<1x128xi32, #tpu.memory_space<vmem>>
        %dma_start3A_146 = tpu.memref_squeeze %dma_start3A_145 : memref<1x128xi32, #tpu.memory_space<vmem>> -> memref<128xi32, #tpu.memory_space<vmem>>
        %dma_start3A_147 = arith.constant 0 : i32
        %dma_start3A_148 = arith.constant 0 : i32
        %dma_start3A_149 = tpu.memref_slice %arg11[%dma_start3A_147, %dma_start3A_148] : memref<10240x64xf32, #tpu.memory_space<vmem_shared>> -> memref<10240x64xf32, #tpu.memory_space<vmem_shared>>
        tpu.enqueue_indirect_dma source(%dma_start3A_149 : memref<10240x64xf32, #tpu.memory_space<vmem_shared>>) target(%arg8 : memref<128x64xf32, #tpu.memory_space<vmem>>) offsets(%dma_start3A_146 : memref<128xi32, #tpu.memory_space<vmem>>) semaphore(%arg13 : memref<!tpu.dma_semaphore, #tpu.memory_space<semaphore_mem>>)
      } else {
      }
      %dma_wait3A_98 = arith.constant 0 : i32
      %dma_wait3A_99 = tpu.memref_slice %arg6[%add3A_83, %dma_wait3A_98] : memref<81x128xi32, #tpu.memory_space<vmem>> -> memref<1x128xi32, #tpu.memory_space<vmem>>
      %dma_wait3A_100 = tpu.memref_squeeze %dma_wait3A_99 : memref<1x128xi32, #tpu.memory_space<vmem>> -> memref<128xi32, #tpu.memory_space<vmem>>
      %dma_wait3A_101 = arith.constant 0 : i32
      %dma_wait3A_102 = arith.constant 0 : i32
      %dma_wait3A_103 = tpu.memref_slice %arg11[%dma_wait3A_101, %dma_wait3A_102] : memref<10240x64xf32, #tpu.memory_space<vmem_shared>> -> memref<10240x64xf32, #tpu.memory_space<vmem_shared>>
      tpu.wait_indirect_dma semaphore(%arg14 : memref<!tpu.dma_semaphore, #tpu.memory_space<semaphore_mem>>) src(%dma_wait3A_103 : memref<10240x64xf32, #tpu.memory_space<vmem_shared>>) dst(%arg9 : memref<128x64xf32, #tpu.memory_space<vmem>>)
      %dma_start3A_104 = arith.constant 0 : i32
      %dma_start3A_105 = tpu.memref_slice %arg7[%add3A_83, %dma_start3A_104] : memref<81x128xi32, #tpu.memory_space<vmem>> -> memref<1x128xi32, #tpu.memory_space<vmem>>
      %dma_start3A_106 = tpu.memref_squeeze %dma_start3A_105 : memref<1x128xi32, #tpu.memory_space<vmem>> -> memref<128xi32, #tpu.memory_space<vmem>>
      %dma_start3A_107 = arith.constant 0 : i32
      %dma_start3A_108 = arith.constant 0 : i32
      %dma_start3A_109 = tpu.memref_slice %arg12[%dma_start3A_107, %dma_start3A_108] : memref<10240x64xf32, #tpu.memory_space<vmem_shared>> -> memref<10240x64xf32, #tpu.memory_space<vmem_shared>>
      tpu.enqueue_indirect_dma source(%arg9 : memref<128x64xf32, #tpu.memory_space<vmem>>) target(%dma_start3A_109 : memref<10240x64xf32, #tpu.memory_space<vmem_shared>>) offsets(%dma_start3A_106 : memref<128xi32, #tpu.memory_space<vmem>>) semaphore(%arg17 : memref<!tpu.dma_semaphore, #tpu.memory_space<semaphore_mem>>) {add = true}
      %mul3A_110 = arith.constant 3 : i32
      %mul3A_111 = arith.muli %mul3A_110, %scan3A_55 : i32
      %add3A_112 = arith.constant 2 : i32
      %add3A_113 = arith.addi %mul3A_111, %add3A_112 : i32
      %sub3A_114 = arith.constant 1 : i32
      %sub3A_115 = arith.subi %add3A_113, %sub3A_114 : i32
      %dma_wait3A_116 = arith.constant 0 : i32
      %dma_wait3A_117 = tpu.memref_slice %arg7[%sub3A_115, %dma_wait3A_116] : memref<81x128xi32, #tpu.memory_space<vmem>> -> memref<1x128xi32, #tpu.memory_space<vmem>>
      %dma_wait3A_118 = tpu.memref_squeeze %dma_wait3A_117 : memref<1x128xi32, #tpu.memory_space<vmem>> -> memref<128xi32, #tpu.memory_space<vmem>>
      %dma_wait3A_119 = arith.constant 0 : i32
      %dma_wait3A_120 = arith.constant 0 : i32
      %dma_wait3A_121 = tpu.memref_slice %arg12[%dma_wait3A_119, %dma_wait3A_120] : memref<10240x64xf32, #tpu.memory_space<vmem_shared>> -> memref<10240x64xf32, #tpu.memory_space<vmem_shared>>
      tpu.wait_indirect_dma semaphore(%arg17 : memref<!tpu.dma_semaphore, #tpu.memory_space<semaphore_mem>>) src(%arg9 : memref<128x64xf32, #tpu.memory_space<vmem>>) dst(%dma_wait3A_121 : memref<10240x64xf32, #tpu.memory_space<vmem_shared>>)
      %add3A_122 = arith.constant 2 : i32
      %add3A_123 = arith.addi %add3A_113, %add3A_122 : i32
      %lt3A_124 = arith.constant 81 : i32
      %lt3A_125 = arith.cmpi slt, %add3A_123, %lt3A_124 : i32
      %convert_element_type3A_126 = arith.extui %lt3A_125 : i1 to i32
      %cond3A_127 = arith.constant 0 : i32
      %cond3A_128 = arith.cmpi ne, %convert_element_type3A_126, %cond3A_127 : i32
      scf.if %cond3A_128 {
        %add3A_141 = arith.constant 2 : i32
        %add3A_142 = arith.addi %add3A_113, %add3A_141 : i32
        %min3A = arith.constant 80 : i32
        %min3A_143 = arith.minsi %add3A_142, %min3A : i32
        %dma_start3A_144 = arith.constant 0 : i32
        %dma_start3A_145 = tpu.memref_slice %arg6[%min3A_143, %dma_start3A_144] : memref<81x128xi32, #tpu.memory_space<vmem>> -> memref<1x128xi32, #tpu.memory_space<vmem>>
        %dma_start3A_146 = tpu.memref_squeeze %dma_start3A_145 : memref<1x128xi32, #tpu.memory_space<vmem>> -> memref<128xi32, #tpu.memory_space<vmem>>
        %dma_start3A_147 = arith.constant 0 : i32
        %dma_start3A_148 = arith.constant 0 : i32
        %dma_start3A_149 = tpu.memref_slice %arg11[%dma_start3A_147, %dma_start3A_148] : memref<10240x64xf32, #tpu.memory_space<vmem_shared>> -> memref<10240x64xf32, #tpu.memory_space<vmem_shared>>
        tpu.enqueue_indirect_dma source(%dma_start3A_149 : memref<10240x64xf32, #tpu.memory_space<vmem_shared>>) target(%arg9 : memref<128x64xf32, #tpu.memory_space<vmem>>) offsets(%dma_start3A_146 : memref<128xi32, #tpu.memory_space<vmem>>) semaphore(%arg14 : memref<!tpu.dma_semaphore, #tpu.memory_space<semaphore_mem>>)
      } else {
      }
      %dma_wait3A_129 = arith.constant 0 : i32
      %dma_wait3A_130 = tpu.memref_slice %arg6[%add3A_113, %dma_wait3A_129] : memref<81x128xi32, #tpu.memory_space<vmem>> -> memref<1x128xi32, #tpu.memory_space<vmem>>
      %dma_wait3A_131 = tpu.memref_squeeze %dma_wait3A_130 : memref<1x128xi32, #tpu.memory_space<vmem>> -> memref<128xi32, #tpu.memory_space<vmem>>
      %dma_wait3A_132 = arith.constant 0 : i32
      %dma_wait3A_133 = arith.constant 0 : i32
      %dma_wait3A_134 = tpu.memref_slice %arg11[%dma_wait3A_132, %dma_wait3A_133] : memref<10240x64xf32, #tpu.memory_space<vmem_shared>> -> memref<10240x64xf32, #tpu.memory_space<vmem_shared>>
      tpu.wait_indirect_dma semaphore(%arg15 : memref<!tpu.dma_semaphore, #tpu.memory_space<semaphore_mem>>) src(%dma_wait3A_134 : memref<10240x64xf32, #tpu.memory_space<vmem_shared>>) dst(%arg10 : memref<128x64xf32, #tpu.memory_space<vmem>>)
      %dma_start3A_135 = arith.constant 0 : i32
      %dma_start3A_136 = tpu.memref_slice %arg7[%add3A_113, %dma_start3A_135] : memref<81x128xi32, #tpu.memory_space<vmem>> -> memref<1x128xi32, #tpu.memory_space<vmem>>
      %dma_start3A_137 = tpu.memref_squeeze %dma_start3A_136 : memref<1x128xi32, #tpu.memory_space<vmem>> -> memref<128xi32, #tpu.memory_space<vmem>>
      %dma_start3A_138 = arith.constant 0 : i32
      %dma_start3A_139 = arith.constant 0 : i32
      %dma_start3A_140 = tpu.memref_slice %arg12[%dma_start3A_138, %dma_start3A_139] : memref<10240x64xf32, #tpu.memory_space<vmem_shared>> -> memref<10240x64xf32, #tpu.memory_space<vmem_shared>>
      tpu.enqueue_indirect_dma source(%arg10 : memref<128x64xf32, #tpu.memory_space<vmem>>) target(%dma_start3A_140 : memref<10240x64xf32, #tpu.memory_space<vmem_shared>>) offsets(%dma_start3A_137 : memref<128xi32, #tpu.memory_space<vmem>>) semaphore(%arg18 : memref<!tpu.dma_semaphore, #tpu.memory_space<semaphore_mem>>) {add = true}
    }
    %scan3A_47 = arith.constant 27 : i32
    %dma_wait3A = arith.constant 80 : i32
    %dma_wait3A_48 = arith.constant 0 : i32
    %dma_wait3A_49 = tpu.memref_slice %arg7[%dma_wait3A, %dma_wait3A_48] : memref<81x128xi32, #tpu.memory_space<vmem>> -> memref<1x128xi32, #tpu.memory_space<vmem>>
    %dma_wait3A_50 = tpu.memref_squeeze %dma_wait3A_49 : memref<1x128xi32, #tpu.memory_space<vmem>> -> memref<128xi32, #tpu.memory_space<vmem>>
    %dma_wait3A_51 = arith.constant 0 : i32
    %dma_wait3A_52 = arith.constant 0 : i32
    %dma_wait3A_53 = tpu.memref_slice %arg12[%dma_wait3A_51, %dma_wait3A_52] : memref<10240x64xf32, #tpu.memory_space<vmem_shared>> -> memref<10240x64xf32, #tpu.memory_space<vmem_shared>>
    tpu.wait_indirect_dma semaphore(%arg18 : memref<!tpu.dma_semaphore, #tpu.memory_space<semaphore_mem>>) src(%arg10 : memref<128x64xf32, #tpu.memory_space<vmem>>) dst(%dma_wait3A_53 : memref<10240x64xf32, #tpu.memory_space<vmem_shared>>)
    %barrier3A_54 = arith.constant 0 : index
    tpu.barrier barrier_id(%barrier3A_54)
    "tpu.region"() ({
      %run_scoped3A = tpu.sem_alloc : memref<!tpu.dma_semaphore, #tpu.memory_space<semaphore_mem>>
      %dma_start3A_55 = arith.constant 0 : i32
      %dma_start3A_56 = tpu.memref_slice %arg5[%arg0, %mul3A_2, %dma_start3A_55] : memref<2x10240x64xf32, #tpu.memory_space<hbm>> -> memref<1x640x64xf32, #tpu.memory_space<hbm>>
      %dma_start3A_57 = tpu.memref_squeeze %dma_start3A_56 : memref<1x640x64xf32, #tpu.memory_space<hbm>> -> memref<640x64xf32, #tpu.memory_space<hbm>>
      %dma_start3A_58 = arith.constant 0 : i32
      %dma_start3A_59 = tpu.memref_slice %arg12[%mul3A_2, %dma_start3A_58] : memref<10240x64xf32, #tpu.memory_space<vmem_shared>> -> memref<640x64xf32, #tpu.memory_space<vmem_shared>>
      tpu.enqueue_dma source(%dma_start3A_59 : memref<640x64xf32, #tpu.memory_space<vmem_shared>>) target(%dma_start3A_57 : memref<640x64xf32, #tpu.memory_space<hbm>>) target_semaphore(%run_scoped3A : memref<!tpu.dma_semaphore, #tpu.memory_space<semaphore_mem>>)
      %dma_wait3A_60 = arith.constant 0 : i32
      %dma_wait3A_61 = tpu.memref_slice %arg5[%arg0, %mul3A_2, %dma_wait3A_60] : memref<2x10240x64xf32, #tpu.memory_space<hbm>> -> memref<1x640x64xf32, #tpu.memory_space<hbm>>
      %dma_wait3A_62 = tpu.memref_squeeze %dma_wait3A_61 : memref<1x640x64xf32, #tpu.memory_space<hbm>> -> memref<640x64xf32, #tpu.memory_space<hbm>>
      %dma_wait3A_63 = arith.constant 0 : i32
      %dma_wait3A_64 = tpu.memref_slice %arg12[%mul3A_2, %dma_wait3A_63] : memref<10240x64xf32, #tpu.memory_space<vmem_shared>> -> memref<640x64xf32, #tpu.memory_space<vmem_shared>>
      tpu.wait_dma2 semaphore(%run_scoped3A : memref<!tpu.dma_semaphore, #tpu.memory_space<semaphore_mem>>) src(%dma_wait3A_64 : memref<640x64xf32, #tpu.memory_space<vmem_shared>>) dst(%dma_wait3A_62 : memref<640x64xf32, #tpu.memory_space<hbm>>)
      tpu.yield
    }) : () -> ()
    return
  }
}

#map = affine_map<(d0, d1) -> (0, 0)>
#map1 = affine_map<(d0, d1) -> (0, 0, 0)>
module attributes {stable_mosaic.version = 14 : i64} {
  func.func @_agg_kernel(%arg0: i32, %arg1: i32, %arg2: memref<10240x64xf32, #tpu.memory_space<hbm>>, %arg3: memref<81x32x128xi32, #tpu.memory_space<hbm>>, %arg4: memref<81x32x128xi32, #tpu.memory_space<hbm>>, %arg5: memref<2x10240x64xf32, #tpu.memory_space<hbm>>, %arg6: memref<81x128xi32, #tpu.memory_space<vmem>>, %arg7: memref<81x128xi32, #tpu.memory_space<vmem>>, %arg8: memref<128x64xf32, #tpu.memory_space<vmem>>, %arg9: memref<128x64xf32, #tpu.memory_space<vmem>>, %arg10: memref<128x64xf32, #tpu.memory_space<vmem>>, %arg11: memref<10240x64xf32, #tpu.memory_space<vmem_shared>>, %arg12: memref<10240x64xf32, #tpu.memory_space<vmem_shared>>, %arg13: memref<!tpu.dma_semaphore, #tpu.memory_space<semaphore_mem>>, %arg14: memref<!tpu.dma_semaphore, #tpu.memory_space<semaphore_mem>>, %arg15: memref<!tpu.dma_semaphore, #tpu.memory_space<semaphore_mem>>, %arg16: memref<!tpu.dma_semaphore, #tpu.memory_space<semaphore_mem>>, %arg17: memref<!tpu.dma_semaphore, #tpu.memory_space<semaphore_mem>>, %arg18: memref<!tpu.dma_semaphore, #tpu.memory_space<semaphore_mem>>) attributes {dimension_semantics = [#tpu.dimension_semantics<core_parallel>, #tpu.dimension_semantics<subcore_parallel>], iteration_bounds = array<i64: 2, 16>, scalar_prefetch = 0 : i64, scratch_operands = 13 : i64, tpu.core_type = #tpu.core_type<sc_vector_subcore>, window_params = [{transform_indices = #map}, {transform_indices = #map1}, {transform_indices = #map1}, {transform_indices = #map1}]} {
    %mul3A = arith.constant 16 : i32
    %mul3A_0 = arith.muli %arg0, %mul3A : i32
    %add3A = arith.addi %mul3A_0, %arg1 : i32
    "tpu.region"() ({
      %run_scoped3A = tpu.sem_alloc : memref<!tpu.dma_semaphore, #tpu.memory_space<semaphore_mem>>
      %dma_start3A_55 = arith.constant 0 : i32
      %dma_start3A_56 = arith.constant 0 : i32
      %dma_start3A_57 = tpu.memref_slice %arg3[%dma_start3A_55, %add3A, %dma_start3A_56] : memref<81x32x128xi32, #tpu.memory_space<hbm>> -> memref<81x1x128xi32, #tpu.memory_space<hbm>>
      %dma_start3A_58 = tpu.memref_squeeze %dma_start3A_57 : memref<81x1x128xi32, #tpu.memory_space<hbm>> -> memref<81x128xi32, #tpu.memory_space<hbm>>
      %dma_start3A_59 = arith.constant 0 : i32
      %dma_start3A_60 = arith.constant 0 : i32
      %dma_start3A_61 = tpu.memref_slice %arg3[%dma_start3A_59, %add3A, %dma_start3A_60] : memref<81x32x128xi32, #tpu.memory_space<hbm>> -> memref<81x1x128xi32, #tpu.memory_space<hbm>>
      %dma_start3A_62 = tpu.memref_squeeze %dma_start3A_61 : memref<81x1x128xi32, #tpu.memory_space<hbm>> -> memref<81x128xi32, #tpu.memory_space<hbm>>
      tpu.enqueue_dma source(%dma_start3A_62 : memref<81x128xi32, #tpu.memory_space<hbm>>) target(%arg6 : memref<81x128xi32, #tpu.memory_space<vmem>>) target_semaphore(%run_scoped3A : memref<!tpu.dma_semaphore, #tpu.memory_space<semaphore_mem>>)
      %dma_wait3A_63 = arith.constant 0 : i32
      %dma_wait3A_64 = arith.constant 0 : i32
      %dma_wait3A_65 = tpu.memref_slice %arg3[%dma_wait3A_63, %add3A, %dma_wait3A_64] : memref<81x32x128xi32, #tpu.memory_space<hbm>> -> memref<81x1x128xi32, #tpu.memory_space<hbm>>
      %dma_wait3A_66 = tpu.memref_squeeze %dma_wait3A_65 : memref<81x1x128xi32, #tpu.memory_space<hbm>> -> memref<81x128xi32, #tpu.memory_space<hbm>>
      %dma_wait3A_67 = arith.constant 0 : i32
      %dma_wait3A_68 = arith.constant 0 : i32
      %dma_wait3A_69 = tpu.memref_slice %arg3[%dma_wait3A_67, %add3A, %dma_wait3A_68] : memref<81x32x128xi32, #tpu.memory_space<hbm>> -> memref<81x1x128xi32, #tpu.memory_space<hbm>>
      %dma_wait3A_70 = tpu.memref_squeeze %dma_wait3A_69 : memref<81x1x128xi32, #tpu.memory_space<hbm>> -> memref<81x128xi32, #tpu.memory_space<hbm>>
      tpu.wait_dma2 semaphore(%run_scoped3A : memref<!tpu.dma_semaphore, #tpu.memory_space<semaphore_mem>>) src(%dma_wait3A_70 : memref<81x128xi32, #tpu.memory_space<hbm>>) dst(%arg6 : memref<81x128xi32, #tpu.memory_space<vmem>>)
      tpu.yield
    }) : () -> ()
    "tpu.region"() ({
      %run_scoped3A = tpu.sem_alloc : memref<!tpu.dma_semaphore, #tpu.memory_space<semaphore_mem>>
      %dma_start3A_55 = arith.constant 0 : i32
      %dma_start3A_56 = arith.constant 0 : i32
      %dma_start3A_57 = tpu.memref_slice %arg4[%dma_start3A_55, %add3A, %dma_start3A_56] : memref<81x32x128xi32, #tpu.memory_space<hbm>> -> memref<81x1x128xi32, #tpu.memory_space<hbm>>
      %dma_start3A_58 = tpu.memref_squeeze %dma_start3A_57 : memref<81x1x128xi32, #tpu.memory_space<hbm>> -> memref<81x128xi32, #tpu.memory_space<hbm>>
      %dma_start3A_59 = arith.constant 0 : i32
      %dma_start3A_60 = arith.constant 0 : i32
      %dma_start3A_61 = tpu.memref_slice %arg4[%dma_start3A_59, %add3A, %dma_start3A_60] : memref<81x32x128xi32, #tpu.memory_space<hbm>> -> memref<81x1x128xi32, #tpu.memory_space<hbm>>
      %dma_start3A_62 = tpu.memref_squeeze %dma_start3A_61 : memref<81x1x128xi32, #tpu.memory_space<hbm>> -> memref<81x128xi32, #tpu.memory_space<hbm>>
      tpu.enqueue_dma source(%dma_start3A_62 : memref<81x128xi32, #tpu.memory_space<hbm>>) target(%arg7 : memref<81x128xi32, #tpu.memory_space<vmem>>) target_semaphore(%run_scoped3A : memref<!tpu.dma_semaphore, #tpu.memory_space<semaphore_mem>>)
      %dma_wait3A_63 = arith.constant 0 : i32
      %dma_wait3A_64 = arith.constant 0 : i32
      %dma_wait3A_65 = tpu.memref_slice %arg4[%dma_wait3A_63, %add3A, %dma_wait3A_64] : memref<81x32x128xi32, #tpu.memory_space<hbm>> -> memref<81x1x128xi32, #tpu.memory_space<hbm>>
      %dma_wait3A_66 = tpu.memref_squeeze %dma_wait3A_65 : memref<81x1x128xi32, #tpu.memory_space<hbm>> -> memref<81x128xi32, #tpu.memory_space<hbm>>
      %dma_wait3A_67 = arith.constant 0 : i32
      %dma_wait3A_68 = arith.constant 0 : i32
      %dma_wait3A_69 = tpu.memref_slice %arg4[%dma_wait3A_67, %add3A, %dma_wait3A_68] : memref<81x32x128xi32, #tpu.memory_space<hbm>> -> memref<81x1x128xi32, #tpu.memory_space<hbm>>
      %dma_wait3A_70 = tpu.memref_squeeze %dma_wait3A_69 : memref<81x1x128xi32, #tpu.memory_space<hbm>> -> memref<81x128xi32, #tpu.memory_space<hbm>>
      tpu.wait_dma2 semaphore(%run_scoped3A : memref<!tpu.dma_semaphore, #tpu.memory_space<semaphore_mem>>) src(%dma_wait3A_70 : memref<81x128xi32, #tpu.memory_space<hbm>>) dst(%arg7 : memref<81x128xi32, #tpu.memory_space<vmem>>)
      tpu.yield
    }) : () -> ()
    %mul3A_1 = arith.constant 640 : i32
    %mul3A_2 = arith.muli %arg1, %mul3A_1 : i32
    "tpu.region"() ({
      %run_scoped3A = tpu.sem_alloc : memref<!tpu.dma_semaphore, #tpu.memory_space<semaphore_mem>>
      %dma_start3A_55 = arith.constant 0 : i32
      %dma_start3A_56 = tpu.memref_slice %arg11[%mul3A_2, %dma_start3A_55] : memref<10240x64xf32, #tpu.memory_space<vmem_shared>> -> memref<640x64xf32, #tpu.memory_space<vmem_shared>>
      %dma_start3A_57 = arith.constant 0 : i32
      %dma_start3A_58 = tpu.memref_slice %arg2[%mul3A_2, %dma_start3A_57] : memref<10240x64xf32, #tpu.memory_space<hbm>> -> memref<640x64xf32, #tpu.memory_space<hbm>>
      tpu.enqueue_dma source(%dma_start3A_58 : memref<640x64xf32, #tpu.memory_space<hbm>>) target(%dma_start3A_56 : memref<640x64xf32, #tpu.memory_space<vmem_shared>>) target_semaphore(%run_scoped3A : memref<!tpu.dma_semaphore, #tpu.memory_space<semaphore_mem>>)
      %dma_wait3A_59 = arith.constant 0 : i32
      %dma_wait3A_60 = tpu.memref_slice %arg11[%mul3A_2, %dma_wait3A_59] : memref<10240x64xf32, #tpu.memory_space<vmem_shared>> -> memref<640x64xf32, #tpu.memory_space<vmem_shared>>
      %dma_wait3A_61 = arith.constant 0 : i32
      %dma_wait3A_62 = tpu.memref_slice %arg2[%mul3A_2, %dma_wait3A_61] : memref<10240x64xf32, #tpu.memory_space<hbm>> -> memref<640x64xf32, #tpu.memory_space<hbm>>
      tpu.wait_dma2 semaphore(%run_scoped3A : memref<!tpu.dma_semaphore, #tpu.memory_space<semaphore_mem>>) src(%dma_wait3A_62 : memref<640x64xf32, #tpu.memory_space<hbm>>) dst(%dma_wait3A_60 : memref<640x64xf32, #tpu.memory_space<vmem_shared>>)
      tpu.yield
    }) : () -> ()
    %broadcast_in_dim3A = arith.constant 0.000000e+00 : f32
    %broadcast_in_dim3A_3 = vector.broadcast %broadcast_in_dim3A : f32 to vector<16xf32>
    %scan3A = arith.constant 0 : i32
    %scan3A_4 = arith.constant 0 : i32
    %scan3A_5 = arith.constant 128 : i32
    %scan3A_6 = arith.addi %scan3A_4, %scan3A_5 : i32
    %scan3A_7 = arith.constant 1 : i32
    scf.for %scan3A_55 = %scan3A_4 to %scan3A_6 step %scan3A_7  : i32 {
      %swap3A = arith.index_cast %scan3A_55 : i32 to index
      %swap3A_56 = arith.constant 0 : index
      %swap3A_57 = tpu.vector_load %arg8[%swap3A, %swap3A_56] {strides = array<i32>} : memref<128x64xf32, #tpu.memory_space<vmem>>, vector<1x16xf32>,
      %swap3A_58 = vector.shape_cast %swap3A_57 : vector<1x16xf32> to vector<16xf32>
      %swap3A_59 = vector.shape_cast %broadcast_in_dim3A_3 : vector<16xf32> to vector<1x16xf32>
      tpu.vector_store %arg8[%swap3A, %swap3A_56], %swap3A_59 {strides = array<i32>} : memref<128x64xf32, #tpu.memory_space<vmem>>, vector<1x16xf32>,
      %swap3A_60 = arith.index_cast %scan3A_55 : i32 to index
      %swap3A_61 = arith.constant 16 : index
      %swap3A_62 = tpu.vector_load %arg8[%swap3A_60, %swap3A_61] {strides = array<i32>} : memref<128x64xf32, #tpu.memory_space<vmem>>, vector<1x16xf32>,
      %swap3A_63 = vector.shape_cast %swap3A_62 : vector<1x16xf32> to vector<16xf32>
      %swap3A_64 = vector.shape_cast %broadcast_in_dim3A_3 : vector<16xf32> to vector<1x16xf32>
      tpu.vector_store %arg8[%swap3A_60, %swap3A_61], %swap3A_64 {strides = array<i32>} : memref<128x64xf32, #tpu.memory_space<vmem>>, vector<1x16xf32>,
      %swap3A_65 = arith.index_cast %scan3A_55 : i32 to index
      %swap3A_66 = arith.constant 32 : index
      %swap3A_67 = tpu.vector_load %arg8[%swap3A_65, %swap3A_66] {strides = array<i32>} : memref<128x64xf32, #tpu.memory_space<vmem>>, vector<1x16xf32>,
      %swap3A_68 = vector.shape_cast %swap3A_67 : vector<1x16xf32> to vector<16xf32>
      %swap3A_69 = vector.shape_cast %broadcast_in_dim3A_3 : vector<16xf32> to vector<1x16xf32>
      tpu.vector_store %arg8[%swap3A_65, %swap3A_66], %swap3A_69 {strides = array<i32>} : memref<128x64xf32, #tpu.memory_space<vmem>>, vector<1x16xf32>,
      %swap3A_70 = arith.index_cast %scan3A_55 : i32 to index
      %swap3A_71 = arith.constant 48 : index
      %swap3A_72 = tpu.vector_load %arg8[%swap3A_70, %swap3A_71] {strides = array<i32>} : memref<128x64xf32, #tpu.memory_space<vmem>>, vector<1x16xf32>,
      %swap3A_73 = vector.shape_cast %swap3A_72 : vector<1x16xf32> to vector<16xf32>
      %swap3A_74 = vector.shape_cast %broadcast_in_dim3A_3 : vector<16xf32> to vector<1x16xf32>
      tpu.vector_store %arg8[%swap3A_70, %swap3A_71], %swap3A_74 {strides = array<i32>} : memref<128x64xf32, #tpu.memory_space<vmem>>, vector<1x16xf32>,
    }
    %scan3A_8 = arith.constant 128 : i32
    %mul3A_9 = arith.constant 640 : i32
    %mul3A_10 = arith.muli %arg1, %mul3A_9 : i32
    %add3A_11 = arith.constant 0 : i32
    %add3A_12 = arith.addi %mul3A_10, %add3A_11 : i32
    "tpu.region"() ({
      %run_scoped3A = tpu.sem_alloc : memref<!tpu.dma_semaphore, #tpu.memory_space<semaphore_mem>>
      %dma_start3A_55 = arith.constant 0 : i32
      %dma_start3A_56 = tpu.memref_slice %arg12[%add3A_12, %dma_start3A_55] : memref<10240x64xf32, #tpu.memory_space<vmem_shared>> -> memref<128x64xf32, #tpu.memory_space<vmem_shared>>
      %dma_start3A_57 = arith.constant 0 : i32
      %dma_start3A_58 = tpu.memref_slice %arg12[%add3A_12, %dma_start3A_57] : memref<10240x64xf32, #tpu.memory_space<vmem_shared>> -> memref<128x64xf32, #tpu.memory_space<vmem_shared>>
      tpu.enqueue_dma source(%arg8 : memref<128x64xf32, #tpu.memory_space<vmem>>) target(%dma_start3A_58 : memref<128x64xf32, #tpu.memory_space<vmem_shared>>) target_semaphore(%run_scoped3A : memref<!tpu.dma_semaphore, #tpu.memory_space<semaphore_mem>>)
      %dma_wait3A_59 = arith.constant 0 : i32
      %dma_wait3A_60 = tpu.memref_slice %arg12[%add3A_12, %dma_wait3A_59] : memref<10240x64xf32, #tpu.memory_space<vmem_shared>> -> memref<128x64xf32, #tpu.memory_space<vmem_shared>>
      %dma_wait3A_61 = arith.constant 0 : i32
      %dma_wait3A_62 = tpu.memref_slice %arg12[%add3A_12, %dma_wait3A_61] : memref<10240x64xf32, #tpu.memory_space<vmem_shared>> -> memref<128x64xf32, #tpu.memory_space<vmem_shared>>
      tpu.wait_dma2 semaphore(%run_scoped3A : memref<!tpu.dma_semaphore, #tpu.memory_space<semaphore_mem>>) src(%arg8 : memref<128x64xf32, #tpu.memory_space<vmem>>) dst(%dma_wait3A_62 : memref<128x64xf32, #tpu.memory_space<vmem_shared>>)
      tpu.yield
    }) : () -> ()
    %mul3A_13 = arith.constant 640 : i32
    %mul3A_14 = arith.muli %arg1, %mul3A_13 : i32
    %add3A_15 = arith.constant 128 : i32
    %add3A_16 = arith.addi %mul3A_14, %add3A_15 : i32
    "tpu.region"() ({
      %run_scoped3A = tpu.sem_alloc : memref<!tpu.dma_semaphore, #tpu.memory_space<semaphore_mem>>
      %dma_start3A_55 = arith.constant 0 : i32
      %dma_start3A_56 = tpu.memref_slice %arg12[%add3A_16, %dma_start3A_55] : memref<10240x64xf32, #tpu.memory_space<vmem_shared>> -> memref<128x64xf32, #tpu.memory_space<vmem_shared>>
      %dma_start3A_57 = arith.constant 0 : i32
      %dma_start3A_58 = tpu.memref_slice %arg12[%add3A_16, %dma_start3A_57] : memref<10240x64xf32, #tpu.memory_space<vmem_shared>> -> memref<128x64xf32, #tpu.memory_space<vmem_shared>>
      tpu.enqueue_dma source(%arg8 : memref<128x64xf32, #tpu.memory_space<vmem>>) target(%dma_start3A_58 : memref<128x64xf32, #tpu.memory_space<vmem_shared>>) target_semaphore(%run_scoped3A : memref<!tpu.dma_semaphore, #tpu.memory_space<semaphore_mem>>)
      %dma_wait3A_59 = arith.constant 0 : i32
      %dma_wait3A_60 = tpu.memref_slice %arg12[%add3A_16, %dma_wait3A_59] : memref<10240x64xf32, #tpu.memory_space<vmem_shared>> -> memref<128x64xf32, #tpu.memory_space<vmem_shared>>
      %dma_wait3A_61 = arith.constant 0 : i32
      %dma_wait3A_62 = tpu.memref_slice %arg12[%add3A_16, %dma_wait3A_61] : memref<10240x64xf32, #tpu.memory_space<vmem_shared>> -> memref<128x64xf32, #tpu.memory_space<vmem_shared>>
      tpu.wait_dma2 semaphore(%run_scoped3A : memref<!tpu.dma_semaphore, #tpu.memory_space<semaphore_mem>>) src(%arg8 : memref<128x64xf32, #tpu.memory_space<vmem>>) dst(%dma_wait3A_62 : memref<128x64xf32, #tpu.memory_space<vmem_shared>>)
      tpu.yield
    }) : () -> ()
    %mul3A_17 = arith.constant 640 : i32
    %mul3A_18 = arith.muli %arg1, %mul3A_17 : i32
    %add3A_19 = arith.constant 256 : i32
    %add3A_20 = arith.addi %mul3A_18, %add3A_19 : i32
    "tpu.region"() ({
      %run_scoped3A = tpu.sem_alloc : memref<!tpu.dma_semaphore, #tpu.memory_space<semaphore_mem>>
      %dma_start3A_55 = arith.constant 0 : i32
      %dma_start3A_56 = tpu.memref_slice %arg12[%add3A_20, %dma_start3A_55] : memref<10240x64xf32, #tpu.memory_space<vmem_shared>> -> memref<128x64xf32, #tpu.memory_space<vmem_shared>>
      %dma_start3A_57 = arith.constant 0 : i32
      %dma_start3A_58 = tpu.memref_slice %arg12[%add3A_20, %dma_start3A_57] : memref<10240x64xf32, #tpu.memory_space<vmem_shared>> -> memref<128x64xf32, #tpu.memory_space<vmem_shared>>
      tpu.enqueue_dma source(%arg8 : memref<128x64xf32, #tpu.memory_space<vmem>>) target(%dma_start3A_58 : memref<128x64xf32, #tpu.memory_space<vmem_shared>>) target_semaphore(%run_scoped3A : memref<!tpu.dma_semaphore, #tpu.memory_space<semaphore_mem>>)
      %dma_wait3A_59 = arith.constant 0 : i32
      %dma_wait3A_60 = tpu.memref_slice %arg12[%add3A_20, %dma_wait3A_59] : memref<10240x64xf32, #tpu.memory_space<vmem_shared>> -> memref<128x64xf32, #tpu.memory_space<vmem_shared>>
      %dma_wait3A_61 = arith.constant 0 : i32
      %dma_wait3A_62 = tpu.memref_slice %arg12[%add3A_20, %dma_wait3A_61] : memref<10240x64xf32, #tpu.memory_space<vmem_shared>> -> memref<128x64xf32, #tpu.memory_space<vmem_shared>>
      tpu.wait_dma2 semaphore(%run_scoped3A : memref<!tpu.dma_semaphore, #tpu.memory_space<semaphore_mem>>) src(%arg8 : memref<128x64xf32, #tpu.memory_space<vmem>>) dst(%dma_wait3A_62 : memref<128x64xf32, #tpu.memory_space<vmem_shared>>)
      tpu.yield
    }) : () -> ()
    %mul3A_21 = arith.constant 640 : i32
    %mul3A_22 = arith.muli %arg1, %mul3A_21 : i32
    %add3A_23 = arith.constant 384 : i32
    %add3A_24 = arith.addi %mul3A_22, %add3A_23 : i32
    "tpu.region"() ({
      %run_scoped3A = tpu.sem_alloc : memref<!tpu.dma_semaphore, #tpu.memory_space<semaphore_mem>>
      %dma_start3A_55 = arith.constant 0 : i32
      %dma_start3A_56 = tpu.memref_slice %arg12[%add3A_24, %dma_start3A_55] : memref<10240x64xf32, #tpu.memory_space<vmem_shared>> -> memref<128x64xf32, #tpu.memory_space<vmem_shared>>
      %dma_start3A_57 = arith.constant 0 : i32
      %dma_start3A_58 = tpu.memref_slice %arg12[%add3A_24, %dma_start3A_57] : memref<10240x64xf32, #tpu.memory_space<vmem_shared>> -> memref<128x64xf32, #tpu.memory_space<vmem_shared>>
      tpu.enqueue_dma source(%arg8 : memref<128x64xf32, #tpu.memory_space<vmem>>) target(%dma_start3A_58 : memref<128x64xf32, #tpu.memory_space<vmem_shared>>) target_semaphore(%run_scoped3A : memref<!tpu.dma_semaphore, #tpu.memory_space<semaphore_mem>>)
      %dma_wait3A_59 = arith.constant 0 : i32
      %dma_wait3A_60 = tpu.memref_slice %arg12[%add3A_24, %dma_wait3A_59] : memref<10240x64xf32, #tpu.memory_space<vmem_shared>> -> memref<128x64xf32, #tpu.memory_space<vmem_shared>>
      %dma_wait3A_61 = arith.constant 0 : i32
      %dma_wait3A_62 = tpu.memref_slice %arg12[%add3A_24, %dma_wait3A_61] : memref<10240x64xf32, #tpu.memory_space<vmem_shared>> -> memref<128x64xf32, #tpu.memory_space<vmem_shared>>
      tpu.wait_dma2 semaphore(%run_scoped3A : memref<!tpu.dma_semaphore, #tpu.memory_space<semaphore_mem>>) src(%arg8 : memref<128x64xf32, #tpu.memory_space<vmem>>) dst(%dma_wait3A_62 : memref<128x64xf32, #tpu.memory_space<vmem_shared>>)
      tpu.yield
    }) : () -> ()
    %mul3A_25 = arith.constant 640 : i32
    %mul3A_26 = arith.muli %arg1, %mul3A_25 : i32
    %add3A_27 = arith.constant 512 : i32
    %add3A_28 = arith.addi %mul3A_26, %add3A_27 : i32
    "tpu.region"() ({
      %run_scoped3A = tpu.sem_alloc : memref<!tpu.dma_semaphore, #tpu.memory_space<semaphore_mem>>
      %dma_start3A_55 = arith.constant 0 : i32
      %dma_start3A_56 = tpu.memref_slice %arg12[%add3A_28, %dma_start3A_55] : memref<10240x64xf32, #tpu.memory_space<vmem_shared>> -> memref<128x64xf32, #tpu.memory_space<vmem_shared>>
      %dma_start3A_57 = arith.constant 0 : i32
      %dma_start3A_58 = tpu.memref_slice %arg12[%add3A_28, %dma_start3A_57] : memref<10240x64xf32, #tpu.memory_space<vmem_shared>> -> memref<128x64xf32, #tpu.memory_space<vmem_shared>>
      tpu.enqueue_dma source(%arg8 : memref<128x64xf32, #tpu.memory_space<vmem>>) target(%dma_start3A_58 : memref<128x64xf32, #tpu.memory_space<vmem_shared>>) target_semaphore(%run_scoped3A : memref<!tpu.dma_semaphore, #tpu.memory_space<semaphore_mem>>)
      %dma_wait3A_59 = arith.constant 0 : i32
      %dma_wait3A_60 = tpu.memref_slice %arg12[%add3A_28, %dma_wait3A_59] : memref<10240x64xf32, #tpu.memory_space<vmem_shared>> -> memref<128x64xf32, #tpu.memory_space<vmem_shared>>
      %dma_wait3A_61 = arith.constant 0 : i32
      %dma_wait3A_62 = tpu.memref_slice %arg12[%add3A_28, %dma_wait3A_61] : memref<10240x64xf32, #tpu.memory_space<vmem_shared>> -> memref<128x64xf32, #tpu.memory_space<vmem_shared>>
      tpu.wait_dma2 semaphore(%run_scoped3A : memref<!tpu.dma_semaphore, #tpu.memory_space<semaphore_mem>>) src(%arg8 : memref<128x64xf32, #tpu.memory_space<vmem>>) dst(%dma_wait3A_62 : memref<128x64xf32, #tpu.memory_space<vmem_shared>>)
      tpu.yield
    }) : () -> ()
    %barrier3A = arith.constant 0 : index
    tpu.barrier barrier_id(%barrier3A)
    %dma_start3A = arith.constant 0 : i32
    %dma_start3A_29 = arith.constant 0 : i32
    %dma_start3A_30 = tpu.memref_slice %arg6[%dma_start3A, %dma_start3A_29] : memref<81x128xi32, #tpu.memory_space<vmem>> -> memref<1x128xi32, #tpu.memory_space<vmem>>
    %dma_start3A_31 = tpu.memref_squeeze %dma_start3A_30 : memref<1x128xi32, #tpu.memory_space<vmem>> -> memref<128xi32, #tpu.memory_space<vmem>>
    %dma_start3A_32 = arith.constant 0 : i32
    %dma_start3A_33 = arith.constant 0 : i32
    %dma_start3A_34 = tpu.memref_slice %arg11[%dma_start3A_32, %dma_start3A_33] : memref<10240x64xf32, #tpu.memory_space<vmem_shared>> -> memref<10240x64xf32, #tpu.memory_space<vmem_shared>>
    tpu.enqueue_indirect_dma source(%dma_start3A_34 : memref<10240x64xf32, #tpu.memory_space<vmem_shared>>) target(%arg8 : memref<128x64xf32, #tpu.memory_space<vmem>>) offsets(%dma_start3A_31 : memref<128xi32, #tpu.memory_space<vmem>>) semaphore(%arg13 : memref<!tpu.dma_semaphore, #tpu.memory_space<semaphore_mem>>)
    %dma_start3A_35 = arith.constant 1 : i32
    %dma_start3A_36 = arith.constant 0 : i32
    %dma_start3A_37 = tpu.memref_slice %arg6[%dma_start3A_35, %dma_start3A_36] : memref<81x128xi32, #tpu.memory_space<vmem>> -> memref<1x128xi32, #tpu.memory_space<vmem>>
    %dma_start3A_38 = tpu.memref_squeeze %dma_start3A_37 : memref<1x128xi32, #tpu.memory_space<vmem>> -> memref<128xi32, #tpu.memory_space<vmem>>
    %dma_start3A_39 = arith.constant 0 : i32
    %dma_start3A_40 = arith.constant 0 : i32
    %dma_start3A_41 = tpu.memref_slice %arg11[%dma_start3A_39, %dma_start3A_40] : memref<10240x64xf32, #tpu.memory_space<vmem_shared>> -> memref<10240x64xf32, #tpu.memory_space<vmem_shared>>
    tpu.enqueue_indirect_dma source(%dma_start3A_41 : memref<10240x64xf32, #tpu.memory_space<vmem_shared>>) target(%arg9 : memref<128x64xf32, #tpu.memory_space<vmem>>) offsets(%dma_start3A_38 : memref<128xi32, #tpu.memory_space<vmem>>) semaphore(%arg14 : memref<!tpu.dma_semaphore, #tpu.memory_space<semaphore_mem>>)
    %scan3A_42 = arith.constant 0 : i32
    %scan3A_43 = arith.constant 0 : i32
    %scan3A_44 = arith.constant 27 : i32
    %scan3A_45 = arith.addi %scan3A_43, %scan3A_44 : i32
    %scan3A_46 = arith.constant 1 : i32
    scf.for %scan3A_55 = %scan3A_43 to %scan3A_45 step %scan3A_46  : i32 {
      %mul3A_56 = arith.constant 3 : i32
      %mul3A_57 = arith.muli %mul3A_56, %scan3A_55 : i32
      %add3A_58 = arith.constant 0 : i32
      %add3A_59 = arith.addi %mul3A_57, %add3A_58 : i32
      %gt3A = arith.constant 0 : i32
      %gt3A_60 = arith.cmpi sgt, %scan3A_55, %gt3A : i32
      %convert_element_type3A = arith.extui %gt3A_60 : i1 to i32
      %cond3A = arith.constant 0 : i32
      %cond3A_61 = arith.cmpi ne, %convert_element_type3A, %cond3A : i32
      scf.if %cond3A_61 {
        %sub3A_141 = arith.constant 1 : i32
        %sub3A_142 = arith.subi %add3A_59, %sub3A_141 : i32
        %dma_wait3A_143 = arith.constant 0 : i32
        %dma_wait3A_144 = tpu.memref_slice %arg7[%sub3A_142, %dma_wait3A_143] : memref<81x128xi32, #tpu.memory_space<vmem>> -> memref<1x128xi32, #tpu.memory_space<vmem>>
        %dma_wait3A_145 = tpu.memref_squeeze %dma_wait3A_144 : memref<1x128xi32, #tpu.memory_space<vmem>> -> memref<128xi32, #tpu.memory_space<vmem>>
        %dma_wait3A_146 = arith.constant 0 : i32
        %dma_wait3A_147 = arith.constant 0 : i32
        %dma_wait3A_148 = tpu.memref_slice %arg12[%dma_wait3A_146, %dma_wait3A_147] : memref<10240x64xf32, #tpu.memory_space<vmem_shared>> -> memref<10240x64xf32, #tpu.memory_space<vmem_shared>>
        tpu.wait_indirect_dma semaphore(%arg18 : memref<!tpu.dma_semaphore, #tpu.memory_space<semaphore_mem>>) src(%arg10 : memref<128x64xf32, #tpu.memory_space<vmem>>) dst(%dma_wait3A_148 : memref<10240x64xf32, #tpu.memory_space<vmem_shared>>)
      } else {
      }
      %add3A_62 = arith.constant 2 : i32
      %add3A_63 = arith.addi %add3A_59, %add3A_62 : i32
      %lt3A = arith.constant 81 : i32
      %lt3A_64 = arith.cmpi slt, %add3A_63, %lt3A : i32
      %convert_element_type3A_65 = arith.extui %lt3A_64 : i1 to i32
      %cond3A_66 = arith.constant 0 : i32
      %cond3A_67 = arith.cmpi ne, %convert_element_type3A_65, %cond3A_66 : i32
      scf.if %cond3A_67 {
        %add3A_141 = arith.constant 2 : i32
        %add3A_142 = arith.addi %add3A_59, %add3A_141 : i32
        %min3A = arith.constant 80 : i32
        %min3A_143 = arith.minsi %add3A_142, %min3A : i32
        %dma_start3A_144 = arith.constant 0 : i32
        %dma_start3A_145 = tpu.memref_slice %arg6[%min3A_143, %dma_start3A_144] : memref<81x128xi32, #tpu.memory_space<vmem>> -> memref<1x128xi32, #tpu.memory_space<vmem>>
        %dma_start3A_146 = tpu.memref_squeeze %dma_start3A_145 : memref<1x128xi32, #tpu.memory_space<vmem>> -> memref<128xi32, #tpu.memory_space<vmem>>
        %dma_start3A_147 = arith.constant 0 : i32
        %dma_start3A_148 = arith.constant 0 : i32
        %dma_start3A_149 = tpu.memref_slice %arg11[%dma_start3A_147, %dma_start3A_148] : memref<10240x64xf32, #tpu.memory_space<vmem_shared>> -> memref<10240x64xf32, #tpu.memory_space<vmem_shared>>
        tpu.enqueue_indirect_dma source(%dma_start3A_149 : memref<10240x64xf32, #tpu.memory_space<vmem_shared>>) target(%arg10 : memref<128x64xf32, #tpu.memory_space<vmem>>) offsets(%dma_start3A_146 : memref<128xi32, #tpu.memory_space<vmem>>) semaphore(%arg15 : memref<!tpu.dma_semaphore, #tpu.memory_space<semaphore_mem>>)
      } else {
      }
      %dma_wait3A_68 = arith.constant 0 : i32
      %dma_wait3A_69 = tpu.memref_slice %arg6[%add3A_59, %dma_wait3A_68] : memref<81x128xi32, #tpu.memory_space<vmem>> -> memref<1x128xi32, #tpu.memory_space<vmem>>
      %dma_wait3A_70 = tpu.memref_squeeze %dma_wait3A_69 : memref<1x128xi32, #tpu.memory_space<vmem>> -> memref<128xi32, #tpu.memory_space<vmem>>
      %dma_wait3A_71 = arith.constant 0 : i32
      %dma_wait3A_72 = arith.constant 0 : i32
      %dma_wait3A_73 = tpu.memref_slice %arg11[%dma_wait3A_71, %dma_wait3A_72] : memref<10240x64xf32, #tpu.memory_space<vmem_shared>> -> memref<10240x64xf32, #tpu.memory_space<vmem_shared>>
      tpu.wait_indirect_dma semaphore(%arg13 : memref<!tpu.dma_semaphore, #tpu.memory_space<semaphore_mem>>) src(%dma_wait3A_73 : memref<10240x64xf32, #tpu.memory_space<vmem_shared>>) dst(%arg8 : memref<128x64xf32, #tpu.memory_space<vmem>>)
      %dma_start3A_74 = arith.constant 0 : i32
      %dma_start3A_75 = tpu.memref_slice %arg7[%add3A_59, %dma_start3A_74] : memref<81x128xi32, #tpu.memory_space<vmem>> -> memref<1x128xi32, #tpu.memory_space<vmem>>
      %dma_start3A_76 = tpu.memref_squeeze %dma_start3A_75 : memref<1x128xi32, #tpu.memory_space<vmem>> -> memref<128xi32, #tpu.memory_space<vmem>>
      %dma_start3A_77 = arith.constant 0 : i32
      %dma_start3A_78 = arith.constant 0 : i32
      %dma_start3A_79 = tpu.memref_slice %arg12[%dma_start3A_77, %dma_start3A_78] : memref<10240x64xf32, #tpu.memory_space<vmem_shared>> -> memref<10240x64xf32, #tpu.memory_space<vmem_shared>>
      tpu.enqueue_indirect_dma source(%arg8 : memref<128x64xf32, #tpu.memory_space<vmem>>) target(%dma_start3A_79 : memref<10240x64xf32, #tpu.memory_space<vmem_shared>>) offsets(%dma_start3A_76 : memref<128xi32, #tpu.memory_space<vmem>>) semaphore(%arg16 : memref<!tpu.dma_semaphore, #tpu.memory_space<semaphore_mem>>) {add = true}
      %mul3A_80 = arith.constant 3 : i32
      %mul3A_81 = arith.muli %mul3A_80, %scan3A_55 : i32
      %add3A_82 = arith.constant 1 : i32
      %add3A_83 = arith.addi %mul3A_81, %add3A_82 : i32
      %sub3A = arith.constant 1 : i32
      %sub3A_84 = arith.subi %add3A_83, %sub3A : i32
      %dma_wait3A_85 = arith.constant 0 : i32
      %dma_wait3A_86 = tpu.memref_slice %arg7[%sub3A_84, %dma_wait3A_85] : memref<81x128xi32, #tpu.memory_space<vmem>> -> memref<1x128xi32, #tpu.memory_space<vmem>>
      %dma_wait3A_87 = tpu.memref_squeeze %dma_wait3A_86 : memref<1x128xi32, #tpu.memory_space<vmem>> -> memref<128xi32, #tpu.memory_space<vmem>>
      %dma_wait3A_88 = arith.constant 0 : i32
      %dma_wait3A_89 = arith.constant 0 : i32
      %dma_wait3A_90 = tpu.memref_slice %arg12[%dma_wait3A_88, %dma_wait3A_89] : memref<10240x64xf32, #tpu.memory_space<vmem_shared>> -> memref<10240x64xf32, #tpu.memory_space<vmem_shared>>
      tpu.wait_indirect_dma semaphore(%arg16 : memref<!tpu.dma_semaphore, #tpu.memory_space<semaphore_mem>>) src(%arg8 : memref<128x64xf32, #tpu.memory_space<vmem>>) dst(%dma_wait3A_90 : memref<10240x64xf32, #tpu.memory_space<vmem_shared>>)
      %add3A_91 = arith.constant 2 : i32
      %add3A_92 = arith.addi %add3A_83, %add3A_91 : i32
      %lt3A_93 = arith.constant 81 : i32
      %lt3A_94 = arith.cmpi slt, %add3A_92, %lt3A_93 : i32
      %convert_element_type3A_95 = arith.extui %lt3A_94 : i1 to i32
      %cond3A_96 = arith.constant 0 : i32
      %cond3A_97 = arith.cmpi ne, %convert_element_type3A_95, %cond3A_96 : i32
      scf.if %cond3A_97 {
        %add3A_141 = arith.constant 2 : i32
        %add3A_142 = arith.addi %add3A_83, %add3A_141 : i32
        %min3A = arith.constant 80 : i32
        %min3A_143 = arith.minsi %add3A_142, %min3A : i32
        %dma_start3A_144 = arith.constant 0 : i32
        %dma_start3A_145 = tpu.memref_slice %arg6[%min3A_143, %dma_start3A_144] : memref<81x128xi32, #tpu.memory_space<vmem>> -> memref<1x128xi32, #tpu.memory_space<vmem>>
        %dma_start3A_146 = tpu.memref_squeeze %dma_start3A_145 : memref<1x128xi32, #tpu.memory_space<vmem>> -> memref<128xi32, #tpu.memory_space<vmem>>
        %dma_start3A_147 = arith.constant 0 : i32
        %dma_start3A_148 = arith.constant 0 : i32
        %dma_start3A_149 = tpu.memref_slice %arg11[%dma_start3A_147, %dma_start3A_148] : memref<10240x64xf32, #tpu.memory_space<vmem_shared>> -> memref<10240x64xf32, #tpu.memory_space<vmem_shared>>
        tpu.enqueue_indirect_dma source(%dma_start3A_149 : memref<10240x64xf32, #tpu.memory_space<vmem_shared>>) target(%arg8 : memref<128x64xf32, #tpu.memory_space<vmem>>) offsets(%dma_start3A_146 : memref<128xi32, #tpu.memory_space<vmem>>) semaphore(%arg13 : memref<!tpu.dma_semaphore, #tpu.memory_space<semaphore_mem>>)
      } else {
      }
      %dma_wait3A_98 = arith.constant 0 : i32
      %dma_wait3A_99 = tpu.memref_slice %arg6[%add3A_83, %dma_wait3A_98] : memref<81x128xi32, #tpu.memory_space<vmem>> -> memref<1x128xi32, #tpu.memory_space<vmem>>
      %dma_wait3A_100 = tpu.memref_squeeze %dma_wait3A_99 : memref<1x128xi32, #tpu.memory_space<vmem>> -> memref<128xi32, #tpu.memory_space<vmem>>
      %dma_wait3A_101 = arith.constant 0 : i32
      %dma_wait3A_102 = arith.constant 0 : i32
      %dma_wait3A_103 = tpu.memref_slice %arg11[%dma_wait3A_101, %dma_wait3A_102] : memref<10240x64xf32, #tpu.memory_space<vmem_shared>> -> memref<10240x64xf32, #tpu.memory_space<vmem_shared>>
      tpu.wait_indirect_dma semaphore(%arg14 : memref<!tpu.dma_semaphore, #tpu.memory_space<semaphore_mem>>) src(%dma_wait3A_103 : memref<10240x64xf32, #tpu.memory_space<vmem_shared>>) dst(%arg9 : memref<128x64xf32, #tpu.memory_space<vmem>>)
      %dma_start3A_104 = arith.constant 0 : i32
      %dma_start3A_105 = tpu.memref_slice %arg7[%add3A_83, %dma_start3A_104] : memref<81x128xi32, #tpu.memory_space<vmem>> -> memref<1x128xi32, #tpu.memory_space<vmem>>
      %dma_start3A_106 = tpu.memref_squeeze %dma_start3A_105 : memref<1x128xi32, #tpu.memory_space<vmem>> -> memref<128xi32, #tpu.memory_space<vmem>>
      %dma_start3A_107 = arith.constant 0 : i32
      %dma_start3A_108 = arith.constant 0 : i32
      %dma_start3A_109 = tpu.memref_slice %arg12[%dma_start3A_107, %dma_start3A_108] : memref<10240x64xf32, #tpu.memory_space<vmem_shared>> -> memref<10240x64xf32, #tpu.memory_space<vmem_shared>>
      tpu.enqueue_indirect_dma source(%arg9 : memref<128x64xf32, #tpu.memory_space<vmem>>) target(%dma_start3A_109 : memref<10240x64xf32, #tpu.memory_space<vmem_shared>>) offsets(%dma_start3A_106 : memref<128xi32, #tpu.memory_space<vmem>>) semaphore(%arg17 : memref<!tpu.dma_semaphore, #tpu.memory_space<semaphore_mem>>) {add = true}
      %mul3A_110 = arith.constant 3 : i32
      %mul3A_111 = arith.muli %mul3A_110, %scan3A_55 : i32
      %add3A_112 = arith.constant 2 : i32
      %add3A_113 = arith.addi %mul3A_111, %add3A_112 : i32
      %sub3A_114 = arith.constant 1 : i32
      %sub3A_115 = arith.subi %add3A_113, %sub3A_114 : i32
      %dma_wait3A_116 = arith.constant 0 : i32
      %dma_wait3A_117 = tpu.memref_slice %arg7[%sub3A_115, %dma_wait3A_116] : memref<81x128xi32, #tpu.memory_space<vmem>> -> memref<1x128xi32, #tpu.memory_space<vmem>>
      %dma_wait3A_118 = tpu.memref_squeeze %dma_wait3A_117 : memref<1x128xi32, #tpu.memory_space<vmem>> -> memref<128xi32, #tpu.memory_space<vmem>>
      %dma_wait3A_119 = arith.constant 0 : i32
      %dma_wait3A_120 = arith.constant 0 : i32
      %dma_wait3A_121 = tpu.memref_slice %arg12[%dma_wait3A_119, %dma_wait3A_120] : memref<10240x64xf32, #tpu.memory_space<vmem_shared>> -> memref<10240x64xf32, #tpu.memory_space<vmem_shared>>
      tpu.wait_indirect_dma semaphore(%arg17 : memref<!tpu.dma_semaphore, #tpu.memory_space<semaphore_mem>>) src(%arg9 : memref<128x64xf32, #tpu.memory_space<vmem>>) dst(%dma_wait3A_121 : memref<10240x64xf32, #tpu.memory_space<vmem_shared>>)
      %add3A_122 = arith.constant 2 : i32
      %add3A_123 = arith.addi %add3A_113, %add3A_122 : i32
      %lt3A_124 = arith.constant 81 : i32
      %lt3A_125 = arith.cmpi slt, %add3A_123, %lt3A_124 : i32
      %convert_element_type3A_126 = arith.extui %lt3A_125 : i1 to i32
      %cond3A_127 = arith.constant 0 : i32
      %cond3A_128 = arith.cmpi ne, %convert_element_type3A_126, %cond3A_127 : i32
      scf.if %cond3A_128 {
        %add3A_141 = arith.constant 2 : i32
        %add3A_142 = arith.addi %add3A_113, %add3A_141 : i32
        %min3A = arith.constant 80 : i32
        %min3A_143 = arith.minsi %add3A_142, %min3A : i32
        %dma_start3A_144 = arith.constant 0 : i32
        %dma_start3A_145 = tpu.memref_slice %arg6[%min3A_143, %dma_start3A_144] : memref<81x128xi32, #tpu.memory_space<vmem>> -> memref<1x128xi32, #tpu.memory_space<vmem>>
        %dma_start3A_146 = tpu.memref_squeeze %dma_start3A_145 : memref<1x128xi32, #tpu.memory_space<vmem>> -> memref<128xi32, #tpu.memory_space<vmem>>
        %dma_start3A_147 = arith.constant 0 : i32
        %dma_start3A_148 = arith.constant 0 : i32
        %dma_start3A_149 = tpu.memref_slice %arg11[%dma_start3A_147, %dma_start3A_148] : memref<10240x64xf32, #tpu.memory_space<vmem_shared>> -> memref<10240x64xf32, #tpu.memory_space<vmem_shared>>
        tpu.enqueue_indirect_dma source(%dma_start3A_149 : memref<10240x64xf32, #tpu.memory_space<vmem_shared>>) target(%arg9 : memref<128x64xf32, #tpu.memory_space<vmem>>) offsets(%dma_start3A_146 : memref<128xi32, #tpu.memory_space<vmem>>) semaphore(%arg14 : memref<!tpu.dma_semaphore, #tpu.memory_space<semaphore_mem>>)
      } else {
      }
      %dma_wait3A_129 = arith.constant 0 : i32
      %dma_wait3A_130 = tpu.memref_slice %arg6[%add3A_113, %dma_wait3A_129] : memref<81x128xi32, #tpu.memory_space<vmem>> -> memref<1x128xi32, #tpu.memory_space<vmem>>
      %dma_wait3A_131 = tpu.memref_squeeze %dma_wait3A_130 : memref<1x128xi32, #tpu.memory_space<vmem>> -> memref<128xi32, #tpu.memory_space<vmem>>
      %dma_wait3A_132 = arith.constant 0 : i32
      %dma_wait3A_133 = arith.constant 0 : i32
      %dma_wait3A_134 = tpu.memref_slice %arg11[%dma_wait3A_132, %dma_wait3A_133] : memref<10240x64xf32, #tpu.memory_space<vmem_shared>> -> memref<10240x64xf32, #tpu.memory_space<vmem_shared>>
      tpu.wait_indirect_dma semaphore(%arg15 : memref<!tpu.dma_semaphore, #tpu.memory_space<semaphore_mem>>) src(%dma_wait3A_134 : memref<10240x64xf32, #tpu.memory_space<vmem_shared>>) dst(%arg10 : memref<128x64xf32, #tpu.memory_space<vmem>>)
      %dma_start3A_135 = arith.constant 0 : i32
      %dma_start3A_136 = tpu.memref_slice %arg7[%add3A_113, %dma_start3A_135] : memref<81x128xi32, #tpu.memory_space<vmem>> -> memref<1x128xi32, #tpu.memory_space<vmem>>
      %dma_start3A_137 = tpu.memref_squeeze %dma_start3A_136 : memref<1x128xi32, #tpu.memory_space<vmem>> -> memref<128xi32, #tpu.memory_space<vmem>>
      %dma_start3A_138 = arith.constant 0 : i32
      %dma_start3A_139 = arith.constant 0 : i32
      %dma_start3A_140 = tpu.memref_slice %arg12[%dma_start3A_138, %dma_start3A_139] : memref<10240x64xf32, #tpu.memory_space<vmem_shared>> -> memref<10240x64xf32, #tpu.memory_space<vmem_shared>>
      tpu.enqueue_indirect_dma source(%arg10 : memref<128x64xf32, #tpu.memory_space<vmem>>) target(%dma_start3A_140 : memref<10240x64xf32, #tpu.memory_space<vmem_shared>>) offsets(%dma_start3A_137 : memref<128xi32, #tpu.memory_space<vmem>>) semaphore(%arg18 : memref<!tpu.dma_semaphore, #tpu.memory_space<semaphore_mem>>) {add = true}
    }
    %scan3A_47 = arith.constant 27 : i32
    %dma_wait3A = arith.constant 80 : i32
    %dma_wait3A_48 = arith.constant 0 : i32
    %dma_wait3A_49 = tpu.memref_slice %arg7[%dma_wait3A, %dma_wait3A_48] : memref<81x128xi32, #tpu.memory_space<vmem>> -> memref<1x128xi32, #tpu.memory_space<vmem>>
    %dma_wait3A_50 = tpu.memref_squeeze %dma_wait3A_49 : memref<1x128xi32, #tpu.memory_space<vmem>> -> memref<128xi32, #tpu.memory_space<vmem>>
    %dma_wait3A_51 = arith.constant 0 : i32
    %dma_wait3A_52 = arith.constant 0 : i32
    %dma_wait3A_53 = tpu.memref_slice %arg12[%dma_wait3A_51, %dma_wait3A_52] : memref<10240x64xf32, #tpu.memory_space<vmem_shared>> -> memref<10240x64xf32, #tpu.memory_space<vmem_shared>>
    tpu.wait_indirect_dma semaphore(%arg18 : memref<!tpu.dma_semaphore, #tpu.memory_space<semaphore_mem>>) src(%arg10 : memref<128x64xf32, #tpu.memory_space<vmem>>) dst(%dma_wait3A_53 : memref<10240x64xf32, #tpu.memory_space<vmem_shared>>)
    %barrier3A_54 = arith.constant 0 : index
    tpu.barrier barrier_id(%barrier3A_54)
    "tpu.region"() ({
      %run_scoped3A = tpu.sem_alloc : memref<!tpu.dma_semaphore, #tpu.memory_space<semaphore_mem>>
      %dma_start3A_55 = arith.constant 0 : i32
      %dma_start3A_56 = tpu.memref_slice %arg5[%arg0, %mul3A_2, %dma_start3A_55] : memref<2x10240x64xf32, #tpu.memory_space<hbm>> -> memref<1x640x64xf32, #tpu.memory_space<hbm>>
      %dma_start3A_57 = tpu.memref_squeeze %dma_start3A_56 : memref<1x640x64xf32, #tpu.memory_space<hbm>> -> memref<640x64xf32, #tpu.memory_space<hbm>>
      %dma_start3A_58 = arith.constant 0 : i32
      %dma_start3A_59 = tpu.memref_slice %arg12[%mul3A_2, %dma_start3A_58] : memref<10240x64xf32, #tpu.memory_space<vmem_shared>> -> memref<640x64xf32, #tpu.memory_space<vmem_shared>>
      tpu.enqueue_dma source(%dma_start3A_59 : memref<640x64xf32, #tpu.memory_space<vmem_shared>>) target(%dma_start3A_57 : memref<640x64xf32, #tpu.memory_space<hbm>>) target_semaphore(%run_scoped3A : memref<!tpu.dma_semaphore, #tpu.memory_space<semaphore_mem>>)
      %dma_wait3A_60 = arith.constant 0 : i32
      %dma_wait3A_61 = tpu.memref_slice %arg5[%arg0, %mul3A_2, %dma_wait3A_60] : memref<2x10240x64xf32, #tpu.memory_space<hbm>> -> memref<1x640x64xf32, #tpu.memory_space<hbm>>
      %dma_wait3A_62 = tpu.memref_squeeze %dma_wait3A_61 : memref<1x640x64xf32, #tpu.memory_space<hbm>> -> memref<640x64xf32, #tpu.memory_space<hbm>>
      %dma_wait3A_63 = arith.constant 0 : i32
      %dma_wait3A_64 = tpu.memref_slice %arg12[%mul3A_2, %dma_wait3A_63] : memref<10240x64xf32, #tpu.memory_space<vmem_shared>> -> memref<640x64xf32, #tpu.memory_space<vmem_shared>>
      tpu.wait_dma2 semaphore(%run_scoped3A : memref<!tpu.dma_semaphore, #tpu.memory_space<semaphore_mem>>) src(%dma_wait3A_64 : memref<640x64xf32, #tpu.memory_space<vmem_shared>>) dst(%dma_wait3A_62 : memref<640x64xf32, #tpu.memory_space<hbm>>)
      tpu.yield
    }) : () -> ()
    return
  }
}

#map = affine_map<(d0, d1) -> (0, 0, 0)>
#map1 = affine_map<(d0, d1) -> (0, 0)>
module attributes {stable_mosaic.version = 14 : i64} {
  func.func @_deg_kernel(%arg0: i32, %arg1: i32, %arg2: memref<81x32x128xi32, #tpu.memory_space<hbm>>, %arg3: memref<32x10240xf32, #tpu.memory_space<hbm>>, %arg4: memref<81x128xi32, #tpu.memory_space<vmem>>, %arg5: memref<10240xf32, #tpu.memory_space<vmem>>) attributes {dimension_semantics = [#tpu.dimension_semantics<core_parallel>, #tpu.dimension_semantics<subcore_parallel>], iteration_bounds = array<i64: 2, 16>, scalar_prefetch = 0 : i64, scratch_operands = 2 : i64, tpu.core_type = #tpu.core_type<sc_vector_subcore>, window_params = [{transform_indices = #map}, {transform_indices = #map1}]} {
    %mul3A = arith.constant 16 : i32
    %mul3A_0 = arith.muli %arg0, %mul3A : i32
    %add3A = arith.addi %mul3A_0, %arg1 : i32
    "tpu.region"() ({
      %run_scoped3A = tpu.sem_alloc : memref<!tpu.dma_semaphore, #tpu.memory_space<semaphore_mem>>
      %dma_start3A = arith.constant 0 : i32
      %dma_start3A_15 = arith.constant 0 : i32
      %dma_start3A_16 = tpu.memref_slice %arg2[%dma_start3A, %add3A, %dma_start3A_15] : memref<81x32x128xi32, #tpu.memory_space<hbm>> -> memref<81x1x128xi32, #tpu.memory_space<hbm>>
      %dma_start3A_17 = tpu.memref_squeeze %dma_start3A_16 : memref<81x1x128xi32, #tpu.memory_space<hbm>> -> memref<81x128xi32, #tpu.memory_space<hbm>>
      %dma_start3A_18 = arith.constant 0 : i32
      %dma_start3A_19 = arith.constant 0 : i32
      %dma_start3A_20 = tpu.memref_slice %arg2[%dma_start3A_18, %add3A, %dma_start3A_19] : memref<81x32x128xi32, #tpu.memory_space<hbm>> -> memref<81x1x128xi32, #tpu.memory_space<hbm>>
      %dma_start3A_21 = tpu.memref_squeeze %dma_start3A_20 : memref<81x1x128xi32, #tpu.memory_space<hbm>> -> memref<81x128xi32, #tpu.memory_space<hbm>>
      tpu.enqueue_dma source(%dma_start3A_21 : memref<81x128xi32, #tpu.memory_space<hbm>>) target(%arg4 : memref<81x128xi32, #tpu.memory_space<vmem>>) target_semaphore(%run_scoped3A : memref<!tpu.dma_semaphore, #tpu.memory_space<semaphore_mem>>)
      %dma_wait3A = arith.constant 0 : i32
      %dma_wait3A_22 = arith.constant 0 : i32
      %dma_wait3A_23 = tpu.memref_slice %arg2[%dma_wait3A, %add3A, %dma_wait3A_22] : memref<81x32x128xi32, #tpu.memory_space<hbm>> -> memref<81x1x128xi32, #tpu.memory_space<hbm>>
      %dma_wait3A_24 = tpu.memref_squeeze %dma_wait3A_23 : memref<81x1x128xi32, #tpu.memory_space<hbm>> -> memref<81x128xi32, #tpu.memory_space<hbm>>
      %dma_wait3A_25 = arith.constant 0 : i32
      %dma_wait3A_26 = arith.constant 0 : i32
      %dma_wait3A_27 = tpu.memref_slice %arg2[%dma_wait3A_25, %add3A, %dma_wait3A_26] : memref<81x32x128xi32, #tpu.memory_space<hbm>> -> memref<81x1x128xi32, #tpu.memory_space<hbm>>
      %dma_wait3A_28 = tpu.memref_squeeze %dma_wait3A_27 : memref<81x1x128xi32, #tpu.memory_space<hbm>> -> memref<81x128xi32, #tpu.memory_space<hbm>>
      tpu.wait_dma2 semaphore(%run_scoped3A : memref<!tpu.dma_semaphore, #tpu.memory_space<semaphore_mem>>) src(%dma_wait3A_28 : memref<81x128xi32, #tpu.memory_space<hbm>>) dst(%arg4 : memref<81x128xi32, #tpu.memory_space<vmem>>)
      tpu.yield
    }) : () -> ()
    %broadcast_in_dim3A = arith.constant 0.000000e+00 : f32
    %broadcast_in_dim3A_1 = vector.broadcast %broadcast_in_dim3A : f32 to vector<16xf32>
    %broadcast_in_dim3A_2 = arith.constant 1.000000e+00 : f32
    %broadcast_in_dim3A_3 = vector.broadcast %broadcast_in_dim3A_2 : f32 to vector<16xf32>
    %scan3A = arith.constant 0 : i32
    %scan3A_4 = arith.constant 0 : i32
    %scan3A_5 = arith.constant 640 : i32
    %scan3A_6 = arith.addi %scan3A_4, %scan3A_5 : i32
    %scan3A_7 = arith.constant 1 : i32
    scf.for %scan3A_15 = %scan3A_4 to %scan3A_6 step %scan3A_7  : i32 {
      %mul3A_16 = arith.constant 16 : i32
      %mul3A_17 = arith.muli %scan3A_15, %mul3A_16 : i32
      %swap3A = arith.index_cast %mul3A_17 : i32 to index
      %swap3A_18 = tpu.vector_load %arg5[%swap3A] {strides = array<i32>} : memref<10240xf32, #tpu.memory_space<vmem>>, vector<16xf32>,
      tpu.vector_store %arg5[%swap3A], %broadcast_in_dim3A_1 {strides = array<i32>} : memref<10240xf32, #tpu.memory_space<vmem>>, vector<16xf32>,
    }
    %scan3A_8 = arith.constant 640 : i32
    %scan3A_9 = arith.constant 0 : i32
    %scan3A_10 = arith.constant 0 : i32
    %scan3A_11 = arith.constant 648 : i32
    %scan3A_12 = arith.addi %scan3A_10, %scan3A_11 : i32
    %scan3A_13 = arith.constant 1 : i32
    scf.for %scan3A_15 = %scan3A_10 to %scan3A_12 step %scan3A_13  : i32 {
      %jit3A = arith.constant 8 : i32
      %div3A = arith.divsi %scan3A_15, %jit3A : i32
      %sign3A = arith.constant 0 : i32
      %sign3A_16 = arith.cmpi sgt, %scan3A_15, %sign3A : i32
      %sign3A_17 = arith.extui %sign3A_16 : i1 to i32
      %sign3A_18 = arith.constant 0 : i32
      %sign3A_19 = arith.cmpi slt, %scan3A_15, %sign3A_18 : i32
      %sign3A_20 = arith.extui %sign3A_19 : i1 to i32
      %sign3A_21 = arith.subi %sign3A_17, %sign3A_20 : i32
      %sign3A_22 = arith.constant 0 : i32
      %sign3A_23 = arith.cmpi sgt, %jit3A, %sign3A_22 : i32
      %sign3A_24 = arith.extui %sign3A_23 : i1 to i32
      %sign3A_25 = arith.constant 0 : i32
      %sign3A_26 = arith.cmpi slt, %jit3A, %sign3A_25 : i32
      %sign3A_27 = arith.extui %sign3A_26 : i1 to i32
      %sign3A_28 = arith.subi %sign3A_24, %sign3A_27 : i32
      %ne3A = arith.cmpi ne, %sign3A_21, %sign3A_28 : i32
      %rem3A = arith.remsi %scan3A_15, %jit3A : i32
      %ne3A_29 = arith.constant 0 : i32
      %ne3A_30 = arith.cmpi ne, %rem3A, %ne3A_29 : i32
      %and3A = arith.andi %ne3A, %ne3A_30 : i1
      %sub3A = arith.constant 1 : i32
      %sub3A_31 = arith.subi %div3A, %sub3A : i32
      %select_n3A = arith.select %and3A, %sub3A_31, %div3A : i32
      %jit3A_32 = arith.constant 8 : i32
      %eq3A = arith.constant 0 : i32
      %eq3A_33 = arith.cmpi eq, %jit3A_32, %eq3A : i32
      %jit3A_34 = arith.constant 1 : i32
      %select_n3A_35 = arith.select %eq3A_33, %jit3A_34, %jit3A_32 : i32
      %rem3A_36 = arith.remsi %scan3A_15, %select_n3A_35 : i32
      %ne3A_37 = arith.constant 0 : i32
      %ne3A_38 = arith.cmpi ne, %rem3A_36, %ne3A_37 : i32
      %lt3A = arith.constant 0 : i32
      %lt3A_39 = arith.cmpi slt, %rem3A_36, %lt3A : i32
      %lt3A_40 = arith.constant 0 : i32
      %lt3A_41 = arith.cmpi slt, %select_n3A_35, %lt3A_40 : i32
      %ne3A_42 = arith.xori %lt3A_39, %lt3A_41 : i1
      %and3A_43 = arith.andi %ne3A_42, %ne3A_38 : i1
      %add3A_44 = arith.addi %rem3A_36, %select_n3A_35 : i32
      %select_n3A_45 = arith.select %and3A_43, %add3A_44, %rem3A_36 : i32
      %mul3A_46 = arith.constant 16 : i32
      %mul3A_47 = arith.muli %select_n3A_45, %mul3A_46 : i32
      %get3A = arith.index_cast %select_n3A : i32 to index
      %get3A_48 = arith.index_cast %mul3A_47 : i32 to index
      %get3A_49 = tpu.vector_load %arg4[%get3A, %get3A_48] {strides = array<i32>} : memref<81x128xi32, #tpu.memory_space<vmem>>, vector<16xi32>,
      tpu.vector_store_idx %arg5[%get3A_49], %broadcast_in_dim3A_3 {add = true} : memref<10240xf32, #tpu.memory_space<vmem>>[vector<16xi32>], vector<16xf32>,
    }
    %scan3A_14 = arith.constant 648 : i32
    "tpu.region"() ({
      %run_scoped3A = tpu.sem_alloc : memref<!tpu.dma_semaphore, #tpu.memory_space<semaphore_mem>>
      %dma_start3A = arith.constant 0 : i32
      %dma_start3A_15 = tpu.memref_slice %arg3[%add3A, %dma_start3A] : memref<32x10240xf32, #tpu.memory_space<hbm>> -> memref<1x10240xf32, #tpu.memory_space<hbm>>
      %dma_start3A_16 = tpu.memref_squeeze %dma_start3A_15 : memref<1x10240xf32, #tpu.memory_space<hbm>> -> memref<10240xf32, #tpu.memory_space<hbm>>
      %dma_start3A_17 = arith.constant 0 : i32
      %dma_start3A_18 = tpu.memref_slice %arg3[%add3A, %dma_start3A_17] : memref<32x10240xf32, #tpu.memory_space<hbm>> -> memref<1x10240xf32, #tpu.memory_space<hbm>>
      %dma_start3A_19 = tpu.memref_squeeze %dma_start3A_18 : memref<1x10240xf32, #tpu.memory_space<hbm>> -> memref<10240xf32, #tpu.memory_space<hbm>>
      tpu.enqueue_dma source(%arg5 : memref<10240xf32, #tpu.memory_space<vmem>>) target(%dma_start3A_19 : memref<10240xf32, #tpu.memory_space<hbm>>) target_semaphore(%run_scoped3A : memref<!tpu.dma_semaphore, #tpu.memory_space<semaphore_mem>>)
      %dma_wait3A = arith.constant 0 : i32
      %dma_wait3A_20 = tpu.memref_slice %arg3[%add3A, %dma_wait3A] : memref<32x10240xf32, #tpu.memory_space<hbm>> -> memref<1x10240xf32, #tpu.memory_space<hbm>>
      %dma_wait3A_21 = tpu.memref_squeeze %dma_wait3A_20 : memref<1x10240xf32, #tpu.memory_space<hbm>> -> memref<10240xf32, #tpu.memory_space<hbm>>
      %dma_wait3A_22 = arith.constant 0 : i32
      %dma_wait3A_23 = tpu.memref_slice %arg3[%add3A, %dma_wait3A_22] : memref<32x10240xf32, #tpu.memory_space<hbm>> -> memref<1x10240xf32, #tpu.memory_space<hbm>>
      %dma_wait3A_24 = tpu.memref_squeeze %dma_wait3A_23 : memref<1x10240xf32, #tpu.memory_space<hbm>> -> memref<10240xf32, #tpu.memory_space<hbm>>
      tpu.wait_dma2 semaphore(%run_scoped3A : memref<!tpu.dma_semaphore, #tpu.memory_space<semaphore_mem>>) src(%arg5 : memref<10240xf32, #tpu.memory_space<vmem>>) dst(%dma_wait3A_24 : memref<10240xf32, #tpu.memory_space<hbm>>)
      tpu.yield
    }) : () -> ()
    return
  }
}

module attributes {stable_mosaic.version = 14 : i64} {
  func.func @_tcA1_body(%arg0: i32, %arg1: memref<2048x128xf32, #tpu.memory_space<vmem>>, %arg2: memref<128x64xf32, #tpu.memory_space<vmem>>, %arg3: memref<2048x64xf32, #tpu.memory_space<vmem>>) attributes {dimension_semantics = [#tpu.dimension_semantics<arbitrary>], iteration_bounds = array<i64: 5>, scalar_prefetch = 0 : i64, scratch_operands = 0 : i64, tpu.core_type = #tpu.core_type<tc>, window_params = [{transform_indices = @transform_0, window_bounds = array<i64: 2048, 128>}, {pipeline_mode = #tpu.pipeline_mode<synchronous>, transform_indices = @transform_1, window_bounds = array<i64: 128, 64>}, {transform_indices = @transform_2, window_bounds = array<i64: 2048, 64>}]} {
    %get3A = arith.constant 0 : index
    %get3A_0 = arith.constant 0 : index
    %get3A_1 = vector.load %arg1[%get3A, %get3A_0] : memref<2048x128xf32, #tpu.memory_space<vmem>>, vector<2048x128xf32>
    %get3A_2 = arith.constant 0 : index
    %get3A_3 = arith.constant 0 : index
    %get3A_4 = vector.load %arg2[%get3A_2, %get3A_3] : memref<128x64xf32, #tpu.memory_space<vmem>>, vector<128x64xf32>
    %dot_general3A = arith.constant dense<0.000000e+00> : vector<2048x64xf32>
    %dot_general3A_5 = tpu.matmul %get3A_1, %get3A_4, %dot_general3A {dimension_numbers = #tpu.dot_dimension_numbers<[1], [0], [0], [1], [0, 0, 1, 1], [], []>, transpose_lhs_hint = false} : vector<2048x128xf32>, vector<128x64xf32>, vector<2048x64xf32> -> vector<2048x64xf32>
    %iota3A = tpu.iota {dimensions = array<i32: 1>} : vector<1x2048xi32>
    %iota3A_6 = vector.shape_cast %iota3A : vector<1x2048xi32> to vector<2048xi32>
    %mul3A = arith.constant 2048 : i32
    %mul3A_7 = arith.muli %arg0, %mul3A : i32
    %add3A = vector.broadcast %mul3A_7 : i32 to vector<2048xi32>
    %add3A_8 = arith.addi %iota3A_6, %add3A : vector<2048xi32>
    %broadcast_in_dim3A = vector.shape_cast %add3A_8 : vector<2048xi32> to vector<2048x1xi32>
    %lt3A = arith.constant 10000 : i32
    %lt3A_9 = vector.broadcast %lt3A : i32 to vector<2048x1xi32>
    %lt3A_10 = arith.cmpi slt, %broadcast_in_dim3A, %lt3A_9 : vector<2048x1xi32>
    %jit3A = arith.constant 0.000000e+00 : f32
    %broadcast_in_dim3A_11 = vector.shape_cast %lt3A_10 : vector<2048x1xi1> to vector<2048x1xi1>
    %broadcast_in_dim3A_12 = vector.broadcast %broadcast_in_dim3A_11 : vector<2048x1xi1> to vector<2048x64xi1>
    %broadcast_in_dim3A_13 = vector.broadcast %jit3A : f32 to vector<2048x64xf32>
    %select_n3A = arith.select %broadcast_in_dim3A_12, %dot_general3A_5, %broadcast_in_dim3A_13 : vector<2048x64xi1>, vector<2048x64xf32>
    %swap3A = arith.constant 0 : index
    %swap3A_14 = arith.constant 0 : index
    %swap3A_15 = vector.load %arg3[%swap3A, %swap3A_14] : memref<2048x64xf32, #tpu.memory_space<vmem>>, vector<2048x64xf32>
    tpu.vector_store %arg3[%swap3A, %swap3A_14], %select_n3A {strides = array<i32>} : memref<2048x64xf32, #tpu.memory_space<vmem>>, vector<2048x64xf32>,
    return
  }
  func.func @transform_0(%arg0: i32) -> (i32, i32) {
    %c0_i32 = arith.constant 0 : i32
    %c0_i32_0 = arith.constant 0 : i32
    return %arg0, %c0_i32 : i32, i32
  }
  func.func @transform_1(%arg0: i32) -> (i32, i32) {
    %c0_i32 = arith.constant 0 : i32
    %c0_i32_0 = arith.constant 0 : i32
    %c0_i32_1 = arith.constant 0 : i32
    return %c0_i32, %c0_i32_0 : i32, i32
  }
  func.func @transform_2(%arg0: i32) -> (i32, i32) {
    %c0_i32 = arith.constant 0 : i32
    %c0_i32_0 = arith.constant 0 : i32
    return %arg0, %c0_i32 : i32, i32
  }
}

module attributes {stable_mosaic.version = 14 : i64} {
  func.func @_tcA2_body(%arg0: i32, %arg1: memref<2048x64xf32, #tpu.memory_space<vmem>>, %arg2: memref<32x2048xf32, #tpu.memory_space<vmem>>, %arg3: memref<2048x64xf32, #tpu.memory_space<vmem>>, %arg4: memref<2048x1xf32, #tpu.memory_space<vmem>>) attributes {dimension_semantics = [#tpu.dimension_semantics<arbitrary>], iteration_bounds = array<i64: 5>, scalar_prefetch = 0 : i64, scratch_operands = 0 : i64, tpu.core_type = #tpu.core_type<tc>, window_params = [{transform_indices = @transform_0, window_bounds = array<i64: 2048, 64>}, {transform_indices = @transform_1, window_bounds = array<i64: 32, 2048>}, {transform_indices = @transform_2, window_bounds = array<i64: 2048, 64>}, {transform_indices = @transform_3, window_bounds = array<i64: 2048, 1>}]} {
    %get3A = arith.constant 0 : index
    %get3A_0 = arith.constant 0 : index
    %get3A_1 = vector.load %arg2[%get3A, %get3A_0] : memref<32x2048xf32, #tpu.memory_space<vmem>>, vector<32x2048xf32>
    %reduce_sum3A = arith.constant dense<0.000000e+00> : vector<2048xf32>
    %reduce_sum3A_2 = vector.multi_reduction <add>, %get3A_1, %reduce_sum3A [0] : vector<32x2048xf32> to vector<2048xf32>
    %add3A = arith.constant 1.000000e+00 : f32
    %add3A_3 = vector.broadcast %add3A : f32 to vector<2048xf32>
    %add3A_4 = arith.addf %reduce_sum3A_2, %add3A_3 : vector<2048xf32>
    %rsqrt3A = math.rsqrt %add3A_4 : vector<2048xf32>
    %iota3A = tpu.iota {dimensions = array<i32: 1>} : vector<1x2048xi32>
    %iota3A_5 = vector.shape_cast %iota3A : vector<1x2048xi32> to vector<2048xi32>
    %mul3A = arith.constant 2048 : i32
    %mul3A_6 = arith.muli %arg0, %mul3A : i32
    %add3A_7 = vector.broadcast %mul3A_6 : i32 to vector<2048xi32>
    %add3A_8 = arith.addi %iota3A_5, %add3A_7 : vector<2048xi32>
    %lt3A = arith.constant 10000 : i32
    %lt3A_9 = vector.broadcast %lt3A : i32 to vector<2048xi32>
    %lt3A_10 = arith.cmpi slt, %add3A_8, %lt3A_9 : vector<2048xi32>
    %jit3A = arith.constant 0.000000e+00 : f32
    %broadcast_in_dim3A = vector.broadcast %jit3A : f32 to vector<2048xf32>
    %select_n3A = arith.select %lt3A_10, %rsqrt3A, %broadcast_in_dim3A : vector<2048xi1>, vector<2048xf32>
    %get3A_11 = arith.constant 0 : index
    %get3A_12 = arith.constant 0 : index
    %get3A_13 = vector.load %arg1[%get3A_11, %get3A_12] : memref<2048x64xf32, #tpu.memory_space<vmem>>, vector<2048x64xf32>
    %broadcast_in_dim3A_14 = vector.shape_cast %select_n3A : vector<2048xf32> to vector<2048x1xf32>
    %mul3A_15 = vector.broadcast %broadcast_in_dim3A_14 : vector<2048x1xf32> to vector<2048x64xf32>
    %mul3A_16 = arith.mulf %get3A_13, %mul3A_15 : vector<2048x64xf32>
    %swap3A = arith.constant 0 : index
    %swap3A_17 = arith.constant 0 : index
    %swap3A_18 = vector.load %arg3[%swap3A, %swap3A_17] : memref<2048x64xf32, #tpu.memory_space<vmem>>, vector<2048x64xf32>
    tpu.vector_store %arg3[%swap3A, %swap3A_17], %mul3A_16 {strides = array<i32>} : memref<2048x64xf32, #tpu.memory_space<vmem>>, vector<2048x64xf32>,
    %broadcast_in_dim3A_19 = vector.shape_cast %select_n3A : vector<2048xf32> to vector<2048x1xf32>
    %swap3A_20 = arith.constant 0 : index
    %swap3A_21 = arith.constant 0 : index
    %swap3A_22 = vector.load %arg4[%swap3A_20, %swap3A_21] : memref<2048x1xf32, #tpu.memory_space<vmem>>, vector<2048x1xf32>
    tpu.vector_store %arg4[%swap3A_20, %swap3A_21], %broadcast_in_dim3A_19 {strides = array<i32>} : memref<2048x1xf32, #tpu.memory_space<vmem>>, vector<2048x1xf32>,
    return
  }
  func.func @transform_0(%arg0: i32) -> (i32, i32) {
    %c0_i32 = arith.constant 0 : i32
    %c0_i32_0 = arith.constant 0 : i32
    return %arg0, %c0_i32 : i32, i32
  }
  func.func @transform_1(%arg0: i32) -> (i32, i32) {
    %c0_i32 = arith.constant 0 : i32
    %c0_i32_0 = arith.constant 0 : i32
    return %c0_i32, %arg0 : i32, i32
  }
  func.func @transform_2(%arg0: i32) -> (i32, i32) {
    %c0_i32 = arith.constant 0 : i32
    %c0_i32_0 = arith.constant 0 : i32
    return %arg0, %c0_i32 : i32, i32
  }
  func.func @transform_3(%arg0: i32) -> (i32, i32) {
    %c0_i32 = arith.constant 0 : i32
    %c0_i32_0 = arith.constant 0 : i32
    return %arg0, %c0_i32 : i32, i32
  }
}

module attributes {stable_mosaic.version = 14 : i64} {
  func.func @_tcB_body(%arg0: i32, %arg1: memref<2x2048x64xf32, #tpu.memory_space<vmem>>, %arg2: memref<2048x64xf32, #tpu.memory_space<vmem>>, %arg3: memref<2048x1xf32, #tpu.memory_space<vmem>>, %arg4: memref<1x64xf32, #tpu.memory_space<vmem>>, %arg5: memref<64x64xf32, #tpu.memory_space<vmem>>, %arg6: memref<2048x64xf32, #tpu.memory_space<vmem>>, %arg7: memref<2048x64xf32, #tpu.memory_space<vmem>>) attributes {dimension_semantics = [#tpu.dimension_semantics<arbitrary>], iteration_bounds = array<i64: 5>, scalar_prefetch = 0 : i64, scratch_operands = 0 : i64, tpu.core_type = #tpu.core_type<tc>, window_params = [{transform_indices = @transform_0, window_bounds = array<i64: 2, 2048, 64>}, {transform_indices = @transform_1, window_bounds = array<i64: 2048, 64>}, {transform_indices = @transform_2, window_bounds = array<i64: 2048, 1>}, {pipeline_mode = #tpu.pipeline_mode<synchronous>, transform_indices = @transform_3, window_bounds = array<i64: 1, 64>}, {pipeline_mode = #tpu.pipeline_mode<synchronous>, transform_indices = @transform_4, window_bounds = array<i64: 64, 64>}, {transform_indices = @transform_5, window_bounds = array<i64: 2048, 64>}, {transform_indices = @transform_6, window_bounds = array<i64: 2048, 64>}]} {
    %get3A = arith.constant 0 : index
    %get3A_0 = arith.constant 0 : index
    %get3A_1 = vector.load %arg3[%get3A, %get3A_0] : memref<2048x1xf32, #tpu.memory_space<vmem>>, vector<2048x1xf32>
    %get3A_2 = arith.constant 0 : index
    %get3A_3 = arith.constant 0 : index
    %get3A_4 = arith.constant 0 : index
    %get3A_5 = vector.load %arg1[%get3A_2, %get3A_3, %get3A_4] : memref<2x2048x64xf32, #tpu.memory_space<vmem>>, vector<1x2048x64xf32>
    %get3A_6 = vector.shape_cast %get3A_5 : vector<1x2048x64xf32> to vector<2048x64xf32>
    %get3A_7 = arith.constant 1 : index
    %get3A_8 = arith.constant 0 : index
    %get3A_9 = arith.constant 0 : index
    %get3A_10 = vector.load %arg1[%get3A_7, %get3A_8, %get3A_9] : memref<2x2048x64xf32, #tpu.memory_space<vmem>>, vector<1x2048x64xf32>
    %get3A_11 = vector.shape_cast %get3A_10 : vector<1x2048x64xf32> to vector<2048x64xf32>
    %add3A = arith.addf %get3A_6, %get3A_11 : vector<2048x64xf32>
    %get3A_12 = arith.constant 0 : index
    %get3A_13 = arith.constant 0 : index
    %get3A_14 = vector.load %arg2[%get3A_12, %get3A_13] : memref<2048x64xf32, #tpu.memory_space<vmem>>, vector<2048x64xf32>
    %add3A_15 = arith.addf %add3A, %get3A_14 : vector<2048x64xf32>
    %mul3A = vector.broadcast %get3A_1 : vector<2048x1xf32> to vector<2048x64xf32>
    %mul3A_16 = arith.mulf %add3A_15, %mul3A : vector<2048x64xf32>
    %get3A_17 = arith.constant 0 : index
    %get3A_18 = arith.constant 0 : index
    %get3A_19 = vector.load %arg4[%get3A_17, %get3A_18] : memref<1x64xf32, #tpu.memory_space<vmem>>, vector<1x64xf32>
    %add3A_20 = vector.broadcast %get3A_19 : vector<1x64xf32> to vector<2048x64xf32>
    %add3A_21 = arith.addf %mul3A_16, %add3A_20 : vector<2048x64xf32>
    %swap3A = arith.constant 0 : index
    %swap3A_22 = arith.constant 0 : index
    %swap3A_23 = vector.load %arg6[%swap3A, %swap3A_22] : memref<2048x64xf32, #tpu.memory_space<vmem>>, vector<2048x64xf32>
    tpu.vector_store %arg6[%swap3A, %swap3A_22], %add3A_21 {strides = array<i32>} : memref<2048x64xf32, #tpu.memory_space<vmem>>, vector<2048x64xf32>,
    %max3A = arith.constant 0.000000e+00 : f32
    %max3A_24 = vector.broadcast %max3A : f32 to vector<2048x64xf32>
    %max3A_25 = arith.maximumf %add3A_21, %max3A_24 : vector<2048x64xf32>
    %get3A_26 = arith.constant 0 : index
    %get3A_27 = arith.constant 0 : index
    %get3A_28 = vector.load %arg5[%get3A_26, %get3A_27] : memref<64x64xf32, #tpu.memory_space<vmem>>, vector<64x64xf32>
    %dot_general3A = arith.constant dense<0.000000e+00> : vector<2048x64xf32>
    %dot_general3A_29 = tpu.matmul %max3A_25, %get3A_28, %dot_general3A {dimension_numbers = #tpu.dot_dimension_numbers<[1], [0], [0], [1], [0, 0, 1, 1], [], []>, transpose_lhs_hint = false} : vector<2048x64xf32>, vector<64x64xf32>, vector<2048x64xf32> -> vector<2048x64xf32>
    %mul3A_30 = vector.broadcast %get3A_1 : vector<2048x1xf32> to vector<2048x64xf32>
    %mul3A_31 = arith.mulf %dot_general3A_29, %mul3A_30 : vector<2048x64xf32>
    %swap3A_32 = arith.constant 0 : index
    %swap3A_33 = arith.constant 0 : index
    %swap3A_34 = vector.load %arg7[%swap3A_32, %swap3A_33] : memref<2048x64xf32, #tpu.memory_space<vmem>>, vector<2048x64xf32>
    tpu.vector_store %arg7[%swap3A_32, %swap3A_33], %mul3A_31 {strides = array<i32>} : memref<2048x64xf32, #tpu.memory_space<vmem>>, vector<2048x64xf32>,
    return
  }
  func.func @transform_0(%arg0: i32) -> (i32, i32, i32) {
    %c0_i32 = arith.constant 0 : i32
    %c0_i32_0 = arith.constant 0 : i32
    %c0_i32_1 = arith.constant 0 : i32
    return %c0_i32, %arg0, %c0_i32_0 : i32, i32, i32
  }
  func.func @transform_1(%arg0: i32) -> (i32, i32) {
    %c0_i32 = arith.constant 0 : i32
    %c0_i32_0 = arith.constant 0 : i32
    return %arg0, %c0_i32 : i32, i32
  }
  func.func @transform_2(%arg0: i32) -> (i32, i32) {
    %c0_i32 = arith.constant 0 : i32
    %c0_i32_0 = arith.constant 0 : i32
    return %arg0, %c0_i32 : i32, i32
  }
  func.func @transform_3(%arg0: i32) -> (i32, i32) {
    %c0_i32 = arith.constant 0 : i32
    %c0_i32_0 = arith.constant 0 : i32
    %c0_i32_1 = arith.constant 0 : i32
    return %c0_i32, %c0_i32_0 : i32, i32
  }
  func.func @transform_4(%arg0: i32) -> (i32, i32) {
    %c0_i32 = arith.constant 0 : i32
    %c0_i32_0 = arith.constant 0 : i32
    %c0_i32_1 = arith.constant 0 : i32
    return %c0_i32, %c0_i32_0 : i32, i32
  }
  func.func @transform_5(%arg0: i32) -> (i32, i32) {
    %c0_i32 = arith.constant 0 : i32
    %c0_i32_0 = arith.constant 0 : i32
    return %arg0, %c0_i32 : i32, i32
  }
  func.func @transform_6(%arg0: i32) -> (i32, i32) {
    %c0_i32 = arith.constant 0 : i32
    %c0_i32_0 = arith.constant 0 : i32
    return %arg0, %c0_i32 : i32, i32
  }
}

module attributes {stable_mosaic.version = 14 : i64} {
  func.func @_tcC_body(%arg0: i32, %arg1: memref<2x2048x64xf32, #tpu.memory_space<vmem>>, %arg2: memref<2048x64xf32, #tpu.memory_space<vmem>>, %arg3: memref<2048x1xf32, #tpu.memory_space<vmem>>, %arg4: memref<1x64xf32, #tpu.memory_space<vmem>>, %arg5: memref<2048x64xf32, #tpu.memory_space<vmem>>) attributes {dimension_semantics = [#tpu.dimension_semantics<arbitrary>], iteration_bounds = array<i64: 5>, scalar_prefetch = 0 : i64, scratch_operands = 0 : i64, tpu.core_type = #tpu.core_type<tc>, window_params = [{transform_indices = @transform_0, window_bounds = array<i64: 2, 2048, 64>}, {transform_indices = @transform_1, window_bounds = array<i64: 2048, 64>}, {transform_indices = @transform_2, window_bounds = array<i64: 2048, 1>}, {pipeline_mode = #tpu.pipeline_mode<synchronous>, transform_indices = @transform_3, window_bounds = array<i64: 1, 64>}, {transform_indices = @transform_4, window_bounds = array<i64: 2048, 64>}]} {
    %get3A = arith.constant 0 : index
    %get3A_0 = arith.constant 0 : index
    %get3A_1 = arith.constant 0 : index
    %get3A_2 = vector.load %arg1[%get3A, %get3A_0, %get3A_1] : memref<2x2048x64xf32, #tpu.memory_space<vmem>>, vector<1x2048x64xf32>
    %get3A_3 = vector.shape_cast %get3A_2 : vector<1x2048x64xf32> to vector<2048x64xf32>
    %get3A_4 = arith.constant 1 : index
    %get3A_5 = arith.constant 0 : index
    %get3A_6 = arith.constant 0 : index
    %get3A_7 = vector.load %arg1[%get3A_4, %get3A_5, %get3A_6] : memref<2x2048x64xf32, #tpu.memory_space<vmem>>, vector<1x2048x64xf32>
    %get3A_8 = vector.shape_cast %get3A_7 : vector<1x2048x64xf32> to vector<2048x64xf32>
    %add3A = arith.addf %get3A_3, %get3A_8 : vector<2048x64xf32>
    %get3A_9 = arith.constant 0 : index
    %get3A_10 = arith.constant 0 : index
    %get3A_11 = vector.load %arg2[%get3A_9, %get3A_10] : memref<2048x64xf32, #tpu.memory_space<vmem>>, vector<2048x64xf32>
    %add3A_12 = arith.addf %add3A, %get3A_11 : vector<2048x64xf32>
    %get3A_13 = arith.constant 0 : index
    %get3A_14 = arith.constant 0 : index
    %get3A_15 = vector.load %arg3[%get3A_13, %get3A_14] : memref<2048x1xf32, #tpu.memory_space<vmem>>, vector<2048x1xf32>
    %mul3A = vector.broadcast %get3A_15 : vector<2048x1xf32> to vector<2048x64xf32>
    %mul3A_16 = arith.mulf %add3A_12, %mul3A : vector<2048x64xf32>
    %get3A_17 = arith.constant 0 : index
    %get3A_18 = arith.constant 0 : index
    %get3A_19 = vector.load %arg4[%get3A_17, %get3A_18] : memref<1x64xf32, #tpu.memory_space<vmem>>, vector<1x64xf32>
    %add3A_20 = vector.broadcast %get3A_19 : vector<1x64xf32> to vector<2048x64xf32>
    %add3A_21 = arith.addf %mul3A_16, %add3A_20 : vector<2048x64xf32>
    %reduce_max3A = arith.constant dense<0xFF800000> : vector<2048xf32>
    %reduce_max3A_22 = vector.multi_reduction <maximumf>, %add3A_21, %reduce_max3A [1] : vector<2048x64xf32> to vector<2048xf32>
    %broadcast_in_dim3A = vector.shape_cast %reduce_max3A_22 : vector<2048xf32> to vector<2048x1xf32>
    %sub3A = vector.broadcast %broadcast_in_dim3A : vector<2048x1xf32> to vector<2048x64xf32>
    %sub3A_23 = arith.subf %add3A_21, %sub3A : vector<2048x64xf32>
    %exp3A = math.exp %sub3A_23 : vector<2048x64xf32>
    %reduce_sum3A = arith.constant dense<0.000000e+00> : vector<2048xf32>
    %reduce_sum3A_24 = vector.multi_reduction <add>, %exp3A, %reduce_sum3A [1] : vector<2048x64xf32> to vector<2048xf32>
    %broadcast_in_dim3A_25 = vector.shape_cast %reduce_sum3A_24 : vector<2048xf32> to vector<2048x1xf32>
    %log3A = math.log %broadcast_in_dim3A_25 : vector<2048x1xf32>
    %add3A_26 = arith.addf %log3A, %broadcast_in_dim3A : vector<2048x1xf32>
    %sub3A_27 = vector.broadcast %add3A_26 : vector<2048x1xf32> to vector<2048x64xf32>
    %sub3A_28 = arith.subf %add3A_21, %sub3A_27 : vector<2048x64xf32>
    %swap3A = arith.constant 0 : index
    %swap3A_29 = arith.constant 0 : index
    %swap3A_30 = vector.load %arg5[%swap3A, %swap3A_29] : memref<2048x64xf32, #tpu.memory_space<vmem>>, vector<2048x64xf32>
    tpu.vector_store %arg5[%swap3A, %swap3A_29], %sub3A_28 {strides = array<i32>} : memref<2048x64xf32, #tpu.memory_space<vmem>>, vector<2048x64xf32>,
    return
  }
  func.func @transform_0(%arg0: i32) -> (i32, i32, i32) {
    %c0_i32 = arith.constant 0 : i32
    %c0_i32_0 = arith.constant 0 : i32
    %c0_i32_1 = arith.constant 0 : i32
    return %c0_i32, %arg0, %c0_i32_0 : i32, i32, i32
  }
  func.func @transform_1(%arg0: i32) -> (i32, i32) {
    %c0_i32 = arith.constant 0 : i32
    %c0_i32_0 = arith.constant 0 : i32
    return %arg0, %c0_i32 : i32, i32
  }
  func.func @transform_2(%arg0: i32) -> (i32, i32) {
    %c0_i32 = arith.constant 0 : i32
    %c0_i32_0 = arith.constant 0 : i32
    return %arg0, %c0_i32 : i32, i32
  }
  func.func @transform_3(%arg0: i32) -> (i32, i32) {
    %c0_i32 = arith.constant 0 : i32
    %c0_i32_0 = arith.constant 0 : i32
    %c0_i32_1 = arith.constant 0 : i32
    return %c0_i32, %c0_i32_0 : i32, i32
  }
  func.func @transform_4(%arg0: i32) -> (i32, i32) {
    %c0_i32 = arith.constant 0 : i32
    %c0_i32_0 = arith.constant 0 : i32
    return %arg0, %c0_i32 : i32, i32
  }
}

</mosaic_0001>

<sc_bundles>
// kernel: kernel.12.cloned.1.call-start
scs
__scs_entry_jumppad:
0x0: {  	(pc) =	sbr.rel $0x88, $3  }
0x1: {  	(tag) =	ssettag $0x0;
	lr =	simm.s32 $0x1  }
0x2: {  	[smem:$0x3F9B] =	sst lr;
	_ =	strace $0xD0000000  }
0x3: {  	_ = 	snop  }
0x4: {  	_ = 	snop  }
0x5: {  	_ = 	snop  }
0x6: {  	_ = 	snop  }
0x7: {  	_ = 	snop  }
__scs_overlays_trampoline_lowered:
0x8: {  	[smem:$0x3FAA] =	sst s0  }
0x9: {  	[smem:$0x3FAB] =	sst s1  }
0xa: {  	[smem:$0x3FAC] =	sst s2  }
0xb: {  	[smem:$0x3FAD] =	sst s3  }
0xc: {  	[smem:$0x3FAE] =	sst s4  }
0xd: {  	[smem:$0x3FAF] =	sst s5  }
0xe: {  	[smem:$0x3FB0] =	sst s6  }
0xf: {  	[smem:$0x3FB1] =	sst s7  }
0x10: {  	[smem:$0x3FB2] =	sst s8  }
0x11: {  	[smem:$0x3FB3] =	sst s9;
	s0 =	simm.s32 @!p0 $0x0  }
0x12: {  	s1 =	sld [smem:$0x3F99];
	s0 =	simm.s32 @p0 $0x1  }
0x13: {  	[smem:$0x3FB4] =	sst s0;
	s0 =	simm.s32 @!p1 $0x0  }
0x14: {  	s2 =	sld [smem:$0x3F98];
	s0 =	simm.s32 @p1 $0x1  }
0x15: {  	[smem:$0x3FB5] =	sst s0;
	s0 =	simm.s32 @!p2 $0x0  }
0x16: {  	s3 =	sld [smem:$0x3FDB];
	s0 =	simm.s32 @p2 $0x1  }
0x17: {  	s4 =	simm.s32 $0x1BF5;
	[smem:$0x3FB7] =	sst s0  }
0x18: {  	s0 =	sld [smem:$0x3F9A];
	_ =	swait.ge [sflag:s4], $0x0  }
0x19: {  	s7 =	sld [smem:$0x3F9B]  }
0x1a: {  	s8 =	sadd.s32 $0xFFFFE003, lr  }
0x1b: {  	s9 =	sadd.s32 $0xFFFFFEF7, lr;
	s5 =	simm.s32 $0xFFFFFFFF;
	p2 =	slt.u32 s8, $0xFFFFF086  }
0x1c: {  	p1 =	slt.u32 s9, $0xF7A;
	s5 =	simm.s32 @!p2 $0x0  }
0x1d: {  	s5 =	simm.s32 @p1 $0x1;
	p0 =	seq.s32 s7, s2  }
0x1e: {  	s7 =	smul.u32 @!p0 $0xF7A, s2;
	p2 =	seq.s32 @!p0 s5, $0x0  }
0x1f: {  	s9 =	smul.u32 $0xF7A, s1;
	s8 =	simm.s32 @!p0 $0x1BF5;
	p2 =	por !p2, p0  }
0x20: {  	[sflag:s8] =	ssyncset.s32 @!p0 $0xFFFFF086;
	s6 =	sadd.s32 @!p0 s3, s7;
	s7 =	simm.s32 @!p0 $0x108  }
0x21: {  	s3 =	sadd.s32 s3, s9;
	s6 =	sadd.s32 @!p0 $0x88, s6;
	s7 =	simm.s32 @p2 $0x1082  }
0x22: {  	[simem:s7], [sflag:s8] =	dma.local @!p0 [hbm:s6], $0xF7A  }
0x23: {  	s9 =	sor.u32 $0xD0000000, s2;
	s6 =	simm.s32 $0x108;
	_ =	swait.ge @!p0 [sflag:s8], $0x0  }
0x24: {  	s3 =	sadd.s32 $0x88, s3;
	s6 =	simm.s32 @!p1 $0x1082;
	[sflag:s4] =	ssyncset.s32 $0xFFFFF086  }
0x25: {  	[simem:s6], [sflag:s4] =	dma.local [hbm:s3], $0xF7A  }
0x26: {  	[smem:$0x3F9B] =	sst s1;
	(tag) =	ssettag s2;
	_ =	strace s9  }
0x27: {  	s1 =	sld [smem:$0x3FAB]  }
0x28: {  	s2 =	sld [smem:$0x3FAC]  }
0x29: {  	s4 =	sld [smem:$0x3FAE]  }
0x2a: {  	p0 =	seq.s32 s5, $0x0;
	s5 =	sld [smem:$0x3FAF]  }
0x2b: {  	s6 =	sld [smem:$0x3FB0]  }
0x2c: {  	s7 =	sld [smem:$0x3FB1]  }
0x2d: {  	s3 =	simm.s32 $0x108;
	s8 =	sld [smem:$0x3FB2]  }
0x2e: {  	s3 =	simm.s32 @!p0 $0x1082;
	s9 =	sld [smem:$0x3FB3]  }
0x2f: {  	lr =	sadd.s32 s0, s3;
	s0 =	sld [smem:$0x3FAA]  }
0x30: {  	s3 =	sld [smem:$0x3FAD]  }
0x31: {  	[smem:$0x3FB6] =	sst s10  }
0x32: {  	s10 =	sld [smem:$0x3FB4];
	_ =	sdelay $0x3  }
0x33: {  	p0 =	seq.s32 s10, $0x1;
	s10 =	sld [smem:$0x3FB6];
	_ =	sdelay $0x3  }
0x34: {  	[smem:$0x3FB6] =	sst s10  }
0x35: {  	s10 =	sld [smem:$0x3FB5];
	_ =	sdelay $0x3  }
0x36: {  	p1 =	seq.s32 s10, $0x1;
	s10 =	sld [smem:$0x3FB6];
	_ =	sdelay $0x3  }
0x37: {  	[smem:$0x3FB6] =	sst s10  }
0x38: {  	s10 =	sld [smem:$0x3FB7]  }
0x39: {  	_ = 	snop;
	(pc) =	sbr.ind lr, $3  }
0x3a: {  	_ = 	snop  }
0x3b: {  	_ = 	snop  }
0x3c: {  	p2 =	seq.s32 s10, $0x1;
	s10 =	sld [smem:$0x3FB6]  }
0x3d: {  	_ =	shalt  }
0x3e: {  	_ =	shalt  }
0x3f: {  	_ =	shalt  }
0x40: {  	_ =	shalt  }
0x41: {  	_ =	shalt  }
0x42: {  	_ =	shalt  }
0x43: {  	_ =	shalt  }
0x44: {  	_ =	shalt  }
0x45: {  	_ =	shalt  }
0x46: {  	_ =	shalt  }
0x47: {  	_ =	shalt  }
0x48: {  	_ =	shalt  }
0x49: {  	_ =	shalt  }
0x4a: {  	_ =	shalt  }
0x4b: {  	_ =	shalt  }
0x4c: {  	_ =	shalt  }
0x4d: {  	_ =	shalt  }
0x4e: {  	_ =	shalt  }
0x4f: {  	_ =	shalt  }
0x50: {  	_ =	shalt  }
0x51: {  	_ =	shalt  }
0x52: {  	_ =	shalt  }
0x53: {  	_ =	shalt  }
0x54: {  	_ =	shalt  }
0x55: {  	_ =	shalt  }
0x56: {  	_ =	shalt  }
0x57: {  	_ =	shalt  }
0x58: {  	_ =	shalt  }
0x59: {  	_ =	shalt  }
0x5a: {  	_ =	shalt  }
0x5b: {  	_ =	shalt  }
0x5c: {  	_ =	shalt  }
0x5d: {  	_ =	shalt  }
0x5e: {  	_ =	shalt  }
0x5f: {  	_ =	shalt  }
0x60: {  	_ =	shalt  }
0x61: {  	_ =	shalt  }
0x62: {  	_ =	shalt  }
0x63: {  	_ =	shalt  }
0x64: {  	_ =	shalt  }
0x65: {  	_ =	shalt  }
0x66: {  	_ =	shalt  }
0x67: {  	_ =	shalt  }
0x68: {  	_ =	shalt  }
0x69: {  	_ =	shalt  }
0x6a: {  	_ =	shalt  }
0x6b: {  	_ =	shalt  }
0x6c: {  	_ =	shalt  }
0x6d: {  	_ =	shalt  }
0x6e: {  	_ =	shalt  }
0x6f: {  	_ =	shalt  }
0x70: {  	_ =	shalt  }
0x71: {  	_ =	shalt  }
0x72: {  	_ =	shalt  }
0x73: {  	_ =	shalt  }
0x74: {  	_ =	shalt  }
0x75: {  	_ =	shalt  }
0x76: {  	_ =	shalt  }
0x77: {  	_ =	shalt  }
0x78: {  	_ =	shalt  }
0x79: {  	_ =	shalt  }
0x7a: {  	_ =	shalt  }
0x7b: {  	_ =	shalt  }
0x7c: {  	_ =	shalt  }
0x7d: {  	_ =	shalt  }
0x7e: {  	_ =	shalt  }
0x7f: {  	_ =	shalt  }
0x80: {  	_ =	shalt  }
0x81: {  	_ =	shalt  }
0x82: {  	_ =	shalt  }
0x83: {  	_ =	shalt  }
0x84: {  	_ =	shalt  }
0x85: {  	_ =	shalt  }
0x86: {  	_ =	shalt  }
0x87: {  	_ =	shalt  }
.Lfunc_end0:
.L_simem_size_0:
called_computation.1_lowered:
.L_overlay_start_0:
0x88: {  	s2 =	sld [smem:$0x3FD9]  }
0x89: {  	s3 =	sld [smem:$0x3FFE];
	_ =	sdelay $0x1  }
0x8a: {  	s1 =	srdreg.scid  }
0x8b: {  	s0 =	sand.u32 $0x1, s1  }
0x8c: {  	s14 =	sshll.u32 s0, $0xA;
	s2 =	sadd.s32 s3, s2  }
0x8d: {  	s2 =	sadd.s32 s2, s14  }
0x8e: {  	[smem:$0x3FC2] =	sst s2  }
0x8f: {  	_ = 	snop  }
0x90: {  	s2 =	sld [smem:$0x3FD0];
	_ =	sdelay $0x2  }
0x91: {  	s15 =	simm.s32 $0xA;
	s4 =	simm.s32 $0x10  }
0x92: {  	[smem:s4], [sflag:s15] =	dma.local [hbm:s2], $0x1  }
0x93: {  	_ =	swait.eq [sflag:s15], $0x1  }
0x94: {  	[sflag:s15] =	ssyncset.done $0x0  }
0x95: {  	[sflag:s15] =	ssyncadd.s32 $0xFFFFFFFF  }
0x96: {  	s16 =	sld [smem:$0x10];
	(tm) =	ssettm $0x1  }
0x97: {  	s17 =	sld [smem:$0x3FFB];
	_ =	sdelay $0x3  }
0x98: {  	_ =	strace s17  }
0x99: {  	s3 =	sld [smem:$0x3FFC];
	_ =	sdelay $0x3  }
0x9a: {  	_ =	strace s3  }
0x9b: {  	s3 =	sld [smem:$0x3FFD];
	_ =	sdelay $0x3  }
0x9c: {  	_ =	strace s3  }
0x9d: {  	_ =	strace $0x8FFFFFFF  }
0x9e: {  	s18 =	sld [smem:$0x3FDB];
	_ =	sdelay $0x1  }
0x9f: {  	s19 =	simm.s32 $_scs_section_size  }
0xa0: {  	s5 =	simm.s32 $_size__tile_overlayer_lowered;
	s6 =	simm.s32 $_tile_overlayer_lowered  }
0xa1: {  	s22 =	simm.s32 $0x1BFF;
	s21 =	sshll.u32 s6, $0x1;
	s3 =	sadd.s32 s19, s18  }
0xa2: {  	s7 =	simm.s32 $0x0;
	s20 =	sshll.u32 s5, $0x1;
	s5 =	sadd.s32 s21, s3  }
0xa3: {  	[timem:s7], [sflag:s22] =	dma.local [hbm:s5], s20  }
0xa4: {  	_ =	swait.ge [sflag:s22], s20  }
0xa5: {  	s4 =	ssub.s32 $0x0, s20;
	[sflag:s22] =	ssyncset.done $0x0  }
0xa6: {  	[sflag:s22] =	ssyncadd.s32 s4;
	_ =	sdelay $0x1  }
0xa7: {  	s23 =	simm.s32 $0x1B8B  }
0xa8: {  	_ =	swait.ge [sflag:s23], $0x1  }
0xa9: {  	[sflag:s23] =	ssyncset.done $0x0  }
0xaa: {  	s25 =	simm.s32 $0x1B8E;
	s24 =	sld [smem:$0x3FFE];
	[sflag:s23] =	ssyncadd.s32 $0xFFFFFFFF  }
0xab: {  	s26 =	simm.s32 $execute0_lowered;
	[smem:$0x3FD2] =	sst s25  }
0xac: {  	s5 =	sshll.u32 s26, $0x1;
	_ =	strace $0x80000049;
	[dreg:$0x1] =	wrdreg $0xFFFFFFFF  }
0xad: {  	s28 =	simm.s32 $_size_execute0_lowered;
	s3 =	sadd.s32 s3, s5;
	[dreg:$0x0] =	wrdreg $0x0  }
0xae: {  	s5 =	sshll.u32 s28, $0x1;
	[dreg:$0x2] =	wrdreg s3  }
0xaf: {  	[dreg:$0x3] =	wrdreg s5  }
0xb0: {  	[dreg:$0x4] =	wrdreg $0xC0  }
0xb1: {  	_ =	task [dreg:s7], $0x5FFFF  }
0xb2: {  	[dreg:$0x1] =	wrdreg $0xFFFFFFFF  }
0xb3: {  	[dreg:$0x0] =	wrdreg $0x60  }
0xb4: {  	[dreg:$0x2] =	wrdreg s24  }
0xb5: {  	[dreg:$0x3] =	wrdreg s16  }
0xb6: {  	[dreg:$0x4] =	wrdreg $0xB1000  }
0xb7: {  	[dreg:$0x5] =	wrdreg $0x151000  }
0xb8: {  	[dreg:$0x6] =	wrdreg $0x9  }
0xb9: {  	_ =	task.clear_ibuf [dreg:s7], $0x7FFFF;
	_ =	strace $0x90000049  }
0xba: {  	s29 =	simm.s32 $0x9;
	_ =	strace $0x8000004B  }
0xbb: {  	_ =	swait.ge [sflag:s29], $0x1  }
0xbc: {  	[sflag:s29] =	ssyncadd.s32 $0xFFFFFFFF  }
0xbd: {  	_ =	strace $0x9000004B  }
0xbe: {  	_ =	sfence  }
0xbf: {  	s30 =	sld [smem:$0x0];
	_ =	sdelay $0x2  }
0xc0: {  	s31 =	sshll.u32 s1, $0xD;
	s1 =	sshrl.u32 s1, $0x2  }
0xc1: {  	s3 =	sand.u32 $0x4000, s31;
	s1 =	sadd.s32 s1, s30  }
0xc2: {  	s0 =	sor.u32 s3, s0;
	s1 =	sshll.u32 s1, $0x11  }
0xc3: {  	s0 =	sor.u32 s1, s0  }
0xc4: {  	s0 =	sadd.s32 $0x8F2B, s0  }
0xc5: {  	[sflag:s0] =	ssyncadd.remote.s32 $0x1  }
0xc6: {  	_ =	sfence.sel $0xFFFF  }
0xc7: {  	[dreg:$0x0] =	wrdreg $0xFFFFFFFF;
	(pc) =	sbr.abs _section_cstart, $3  }
0xc8: {  	[dreg:$0x1] =	wrdreg $0xFFFFFFFF  }
0xc9: {  	_ =	task.clear_ibuf [dreg:s7], $0x2FFFF;
	_ =	strace $0x9FFFFFFF  }
0xca: {  	(tm) =	ssettm $0x7FFFFFFF  }
0xcb: {  	_ =	shalt  }
tec
execute0_lowered:
.L_overlay_start_1:
0x0: {  	(tag) =	ssettag $0x1  }
0x1: {  	s0 =	rddreg [dreg:$0x0]  }
0x2: {  	s1 =	rddreg [dreg:$0x1]  }
0x3: {  	s2 =	rddreg [dreg:$0x2]  }
0x4: {  	s3 =	rddreg [dreg:$0x3]  }
0x5: {  	s5 =	simm.s32 $0x0;
	s18 =	stileid.u32;
	s4 =	srdreg.scid  }
0x6: {  	s15 =	simm.s32 $0x80;
	s16 =	simm.s32 $0x1000;
	s17 =	simm.s32 $0x7  }
0x7: {  	s21 =	simm.s32 $0x5100;
	s29 =	simm.s32 $0x2;
	s31 =	simm.s32 $0x5  }
0x8: {  	s28 =	simm.s32 $0x0;
	[smem:$0x7FF] =	sst s5;
	s8 =	smul.u32 $0xA000, s18  }
0x9: {  	s4 =	sand.u32 $0x1, s4;
	s9 =	sshll.u32 s18, $0x4;
	s24 =	smul.u32 $0x28000, s18  }
0xa: {  	s30 =	sshll.u32 s18, $0x6;
	s18 =	simm.s32 $0x2880;
	_ =	strace $0x8000004A  }
0xb: {  	s22 =	smul.u32 $0xA0000, s4;
	s7 =	sshll.u32 s4, $0x8;
	s4 =	ssub.s32 $0x2, s4  }
0xc: {  	s19 =	sor.u32 $0x1C07, s30;
	s6 =	sshrl.u32 s8, $0x3;
	s23 =	sor.u32 s9, s7  }
0xd: {  	s25 =	sshrl.u32 s4, $0x1;
	s7 =	sshrl.u32 s24, $0x2;
	s26 =	sadd.s32 s8, s2  }
0xe: {  	s24 =	simm.s32 $0x9100;
	s10 =	sadd.s32 s6, s0;
	s5 =	sadd.s32 s8, s22  }
0xf: {  	s9 =	sadd.s32 s23, s0;
	s4 =	ssub.s32 s4, s25;
	s6 =	sadd.s32 s1, s23  }
0x10: {  	s12 =	sadd.s32 s7, s3;
	s8 =	sadd.s32 s8, s3;
	s20 =	sshrl.u32 s26, $0x3  }
0x11: {  	s22 =	simm.s32 $0x7100;
	s25 =	simm.s32 $0x1;
	s26 =	simm.s32 $0x4  }
0x12: {  	s1 =	simm.s32 $0x3;
	s23 =	simm.s32 $0x6;
	s5 =	sshrl.u32 s5, $0x3  }
0x13: {  	s7 =	sadd.s32 $0xBC00, s10;
	s10 =	sadd.s32 $0x4000, s12;
	s11 =	sadd.s32 $0x6000, s12  }
0x14: {  	s14 =	smax.u32 s4, $0x1;
	s0 =	sadd.s32 s5, s0;
	s5 =	sadd.s32 $0x1A00, s9  }
0x15: {  	v0 =	vimm.f32 $0.0e+00;
	s9 =	sadd.s32 $0x2000, s12;
	s12 =	sadd.s32 $0x8000, s12;
	s13 =	sadd.s32 $0x1FC00, s0  }
.LBB2_1:
0x16: {  	s0 =	simm.s32 $0x0  }
0x17: {  	[tilespmem:s0], [sflag:$0x7] =	stream.strided.gather [hbm4b:s5+s15], $0x2880, s16, s15, $0x38;
	[tilespmem:$0x1F100] =	vst v63  }
0x18: {  	_ =	swait.ge [sflag:s17], $0x2880  }
0x19: {  	[sflag:s17] =	ssyncset.done $0x0  }
0x1a: {  	[sflag:s17] =	ssyncadd.s32 $0xFFFFD780  }
0x1b: {  	[tilespmem:s18], [sflag:$0x7] =	stream.strided.gather [hbm4b:s6+s15], $0x2880, s16, s15, $0x38;
	[tilespmem:$0x1F100] =	vst v63  }
0x1c: {  	_ =	swait.ge [sflag:s17], $0x2880  }
0x1d: {  	[sflag:s17] =	ssyncset.done $0x0  }
0x1e: {  	[sflag:s17] =	ssyncadd.s32 $0xFFFFD780  }
0x1f: {  	[spmem:s20], [sflag:s19] =	dma.local [hbm:s7], $0x1400  }
0x20: {  	_ =	swait.ge [sflag:s17], $0x1400  }
0x21: {  	[sflag:s17] =	ssyncset.done $0x0  }
0x22: {  	s30 =	simm.s32 $0x0;
	s0 =	simm.s32 $0x100;
	[sflag:s17] =	ssyncadd.s32 $0xFFFFEC00  }
.LBB2_2:
0x23: {  	p0 =	sne.s32 s0, $0x7F00;
	[tilespmem:s30+$0x5130] =	vst v0;
	s4 =	smov.u32 s0;
	s0 =	sadd.s32 $0x100, s0  }
.Ltmp0:
0x24: {  	[tilespmem:s30+$0x5120] =	vst v0;
	(pc) =	sbr.rel @p0 .LBB2_2-.Ltmp0, $3  }
0x25: {  	[tilespmem:s30+$0x5100] =	vst v0  }
0x26: {  	[tilespmem:s30+$0x5110] =	vst v0;
	_ =	sdelay $0x1  }
0x27: {  	s30 =	sshra.s32 s4, $0x2  }
0x28: {  	[tilespmem:s30+$0x5130] =	vst v0  }
0x29: {  	[tilespmem:s30+$0x5120] =	vst v0  }
0x2a: {  	[tilespmem:s30+$0x5100] =	vst v0  }
0x2b: {  	[tilespmem:s30+$0x5110] =	vst v0  }
0x2c: {  	[spmem:s8] =	stream.linear.scatter [tilespmem:s21], [sflag:$0x7], $0x2000, $0x38;
	[tilespmem:$0x1F100] =	vst v63  }
0x2d: {  	_ =	swait.ge [sflag:s17], $0x2000  }
0x2e: {  	[sflag:s17] =	ssyncset.done $0x0  }
0x2f: {  	[sflag:s17] =	ssyncadd.s32 $0xFFFFE000  }
0x30: {  	[spmem:s9] =	stream.linear.scatter [tilespmem:s21], [sflag:$0x7], $0x2000, $0x38;
	[tilespmem:$0x1F100] =	vst v63  }
0x31: {  	_ =	swait.ge [sflag:s17], $0x2000  }
0x32: {  	[sflag:s17] =	ssyncset.done $0x0  }
0x33: {  	[sflag:s17] =	ssyncadd.s32 $0xFFFFE000  }
0x34: {  	[spmem:s10] =	stream.linear.scatter [tilespmem:s21], [sflag:$0x7], $0x2000, $0x38;
	[tilespmem:$0x1F100] =	vst v63  }
0x35: {  	_ =	swait.ge [sflag:s17], $0x2000  }
0x36: {  	[sflag:s17] =	ssyncset.done $0x0  }
0x37: {  	[sflag:s17] =	ssyncadd.s32 $0xFFFFE000  }
0x38: {  	[spmem:s11] =	stream.linear.scatter [tilespmem:s21], [sflag:$0x7], $0x2000, $0x38;
	[tilespmem:$0x1F100] =	vst v63  }
0x39: {  	_ =	swait.ge [sflag:s17], $0x2000  }
0x3a: {  	[sflag:s17] =	ssyncset.done $0x0  }
0x3b: {  	[sflag:s17] =	ssyncadd.s32 $0xFFFFE000  }
0x3c: {  	[spmem:s12] =	stream.linear.scatter [tilespmem:s21], [sflag:$0x7], $0x2000, $0x38;
	[tilespmem:$0x1F100] =	vst v63  }
0x3d: {  	_ =	swait.ge [sflag:s17], $0x2000  }
0x3e: {  	[sflag:s17] =	ssyncset.done $0x0  }
0x3f: {  	[sflag:s17] =	ssyncadd.s32 $0xFFFFE000  }
0x40: {  	s0 =	simm.s32 $0x0;
	[bflag:$0x0] =	sbarrier.arrive $0xFFFF  }
0x41: {  	[tilespmem:s21], [sflag:$0x1] =	stream.indirect.gather [spmem:s2], $0x40, s0, s15, $0xb8;
	[tilespmem:$0x1F100] =	vst v63  }
0x42: {  	_ = 	snop  }
0x43: {  	[tilespmem:s22], [sflag:$0x2] =	stream.indirect.gather [spmem:s2], $0x40, s15, s15, $0xb8;
	[tilespmem:$0x1F100] =	vst v63  }
0x44: {  	s4 =	simm.s32 $0x100  }
0x45: {  	[tilespmem:s24], [sflag:$0x3] =	stream.indirect.gather [spmem:s2], $0x40, s4, s15, $0xb8;
	[tilespmem:$0x1F100] =	vst v63  }
0x46: {  	_ =	swait.ge [sflag:s25], $0x2000  }
0x47: {  	[sflag:s25] =	ssyncset.done $0x0  }
0x48: {  	[sflag:s25] =	ssyncadd.s32 $0xFFFFE000  }
0x49: {  	[spmem:s3] =	stream.indirect.scatter.add.f32 [tilespmem:s21], [sflag:$0x4], $0x40, s18, s15, $0xb8;
	[tilespmem:$0x1F100] =	vst v63  }
0x4a: {  	_ =	swait.ge [sflag:s26], $0x2000  }
0x4b: {  	[sflag:s26] =	ssyncset.done $0x0  }
0x4c: {  	s4 =	simm.s32 $0x180;
	[sflag:s26] =	ssyncadd.s32 $0xFFFFE000  }
0x4d: {  	[tilespmem:s21], [sflag:$0x1] =	stream.indirect.gather [spmem:s2], $0x40, s4, s15, $0xb8;
	[tilespmem:$0x1F100] =	vst v63  }
0x4e: {  	_ =	swait.ge [sflag:s29], $0x2000  }
0x4f: {  	[sflag:s29] =	ssyncset.done $0x0  }
0x50: {  	s4 =	simm.s32 $0x2900;
	[sflag:s29] =	ssyncadd.s32 $0xFFFFE000  }
0x51: {  	[spmem:s3] =	stream.indirect.scatter.add.f32 [tilespmem:s22], [sflag:$0x5], $0x40, s4, s15, $0xb8;
	[tilespmem:$0x1F100] =	vst v63  }
0x52: {  	_ =	swait.ge [sflag:s31], $0x2000  }
0x53: {  	[sflag:s31] =	ssyncset.done $0x0  }
0x54: {  	s4 =	simm.s32 $0x200;
	[sflag:s31] =	ssyncadd.s32 $0xFFFFE000  }
0x55: {  	[tilespmem:s22], [sflag:$0x2] =	stream.indirect.gather [spmem:s2], $0x40, s4, s15, $0xb8;
	[tilespmem:$0x1F100] =	vst v63  }
0x56: {  	_ =	swait.ge [sflag:s1], $0x2000  }
0x57: {  	[sflag:s1] =	ssyncset.done $0x0  }
0x58: {  	s4 =	simm.s32 $0x2980;
	[sflag:s1] =	ssyncadd.s32 $0xFFFFE000  }
0x59: {  	[spmem:s3] =	stream.indirect.scatter.add.f32 [tilespmem:s24], [sflag:$0x6], $0x40, s4, s15, $0xb8;
	[tilespmem:$0x1F100] =	vst v63  }
0x5a: {  	_ =	swait.ge [sflag:s23], $0x2000  }
0x5b: {  	[sflag:s23] =	ssyncset.done $0x0  }
0x5c: {  	s4 =	simm.s32 $0x280;
	[sflag:s23] =	ssyncadd.s32 $0xFFFFE000  }
0x5d: {  	[tilespmem:s24], [sflag:$0x3] =	stream.indirect.gather [spmem:s2], $0x40, s4, s15, $0xb8;
	[tilespmem:$0x1F100] =	vst v63  }
0x5e: {  	_ =	swait.ge [sflag:s25], $0x2000  }
0x5f: {  	[sflag:s25] =	ssyncset.done $0x0  }
0x60: {  	s4 =	simm.s32 $0x2A00;
	[sflag:s25] =	ssyncadd.s32 $0xFFFFE000  }
0x61: {  	[spmem:s3] =	stream.indirect.scatter.add.f32 [tilespmem:s21], [sflag:$0x4], $0x40, s4, s15, $0xb8;
	[tilespmem:$0x1F100] =	vst v63  }
0x62: {  	_ =	swait.ge [sflag:s26], $0x2000  }
0x63: {  	[sflag:s26] =	ssyncset.done $0x0  }
0x64: {  	s4 =	simm.s32 $0x300;
	[sflag:s26] =	ssyncadd.s32 $0xFFFFE000  }
0x65: {  	[tilespmem:s21], [sflag:$0x1] =	stream.indirect.gather [spmem:s2], $0x40, s4, s15, $0xb8;
	[tilespmem:$0x1F100] =	vst v63  }
0x66: {  	_ =	swait.ge [sflag:s29], $0x2000  }
0x67: {  	[sflag:s29] =	ssyncset.done $0x0  }
0x68: {  	s4 =	simm.s32 $0x2A80;
	[sflag:s29] =	ssyncadd.s32 $0xFFFFE000  }
0x69: {  	[spmem:s3] =	stream.indirect.scatter.add.f32 [tilespmem:s22], [sflag:$0x5], $0x40, s4, s15, $0xb8;
	[tilespmem:$0x1F100] =	vst v63  }
0x6a: {  	_ =	swait.ge [sflag:s31], $0x2000  }
0x6b: {  	[sflag:s31] =	ssyncset.done $0x0  }
0x6c: {  	s4 =	simm.s32 $0x380;
	[sflag:s31] =	ssyncadd.s32 $0xFFFFE000  }
0x6d: {  	[tilespmem:s22], [sflag:$0x2] =	stream.indirect.gather [spmem:s2], $0x40, s4, s15, $0xb8;
	[tilespmem:$0x1F100] =	vst v63  }
0x6e: {  	_ =	swait.ge [sflag:s1], $0x2000  }
0x6f: {  	[sflag:s1] =	ssyncset.done $0x0  }
0x70: {  	s30 =	simm.s32 $0x600;
	s0 =	simm.s32 $0x2B00;
	[sflag:s1] =	ssyncadd.s32 $0xFFFFE000  }
.LBB2_4:
0x71: {  	[spmem:s3] =	stream.indirect.scatter.add.f32 [tilespmem:s24], [sflag:$0x6], $0x40, s0, s15, $0xb8;
	[tilespmem:$0x1F100] =	vst v63  }
0x72: {  	s0 =	smov.u32 s30;
	s30 =	sadd.s32 $0x600, s30;
	_ =	swait.ge [sflag:s23], $0x2000  }
0x73: {  	s0 =	sshra.s32 s0, $0x2;
	p0 =	sne.s32 s30, $0x9600;
	[sflag:s23] =	ssyncset.done $0x0  }
0x74: {  	s4 =	sadd.s32 $0x280, s0;
	[sflag:s23] =	ssyncadd.s32 $0xFFFFE000  }
0x75: {  	[tilespmem:s24], [sflag:$0x3] =	stream.indirect.gather [spmem:s2], $0x40, s4, s15, $0xb8;
	[tilespmem:$0x1F100] =	vst v63  }
0x76: {  	_ =	swait.ge [sflag:s25], $0x2000  }
0x77: {  	[sflag:s25] =	ssyncset.done $0x0  }
0x78: {  	s4 =	sadd.s32 $0x2A00, s0;
	[sflag:s25] =	ssyncadd.s32 $0xFFFFE000  }
0x79: {  	[spmem:s3] =	stream.indirect.scatter.add.f32 [tilespmem:s21], [sflag:$0x4], $0x40, s4, s15, $0xb8;
	[tilespmem:$0x1F100] =	vst v63  }
0x7a: {  	_ =	swait.ge [sflag:s26], $0x2000  }
0x7b: {  	[sflag:s26] =	ssyncset.done $0x0  }
0x7c: {  	s4 =	sadd.s32 $0x300, s0;
	[sflag:s26] =	ssyncadd.s32 $0xFFFFE000  }
0x7d: {  	[tilespmem:s21], [sflag:$0x1] =	stream.indirect.gather [spmem:s2], $0x40, s4, s15, $0xb8;
	[tilespmem:$0x1F100] =	vst v63  }
0x7e: {  	_ =	swait.ge [sflag:s29], $0x2000  }
0x7f: {  	[sflag:s29] =	ssyncset.done $0x0  }
0x80: {  	s4 =	sadd.s32 $0x2A80, s0;
	[sflag:s29] =	ssyncadd.s32 $0xFFFFE000  }
0x81: {  	[spmem:s3] =	stream.indirect.scatter.add.f32 [tilespmem:s22], [sflag:$0x5], $0x40, s4, s15, $0xb8;
	[tilespmem:$0x1F100] =	vst v63  }
0x82: {  	_ =	swait.ge [sflag:s31], $0x2000  }
0x83: {  	[sflag:s31] =	ssyncset.done $0x0  }
.Ltmp1:
0x84: {  	s4 =	sadd.s32 $0x380, s0;
	[sflag:s31] =	ssyncadd.s32 $0xFFFFE000;
	(pc) =	sbr.rel @p0 .LBB2_4-.Ltmp1, $4  }
0x85: {  	[tilespmem:s22], [sflag:$0x2] =	stream.indirect.gather [spmem:s2], $0x40, s4, s15, $0xb8;
	[tilespmem:$0x1F100] =	vst v63  }
0x86: {  	_ =	swait.ge [sflag:s1], $0x2000  }
0x87: {  	[sflag:s1] =	ssyncset.done $0x0  }
0x88: {  	s0 =	sadd.s32 $0x2B00, s0;
	[sflag:s1] =	ssyncadd.s32 $0xFFFFE000  }
0x89: {  	[spmem:s3] =	stream.indirect.scatter.add.f32 [tilespmem:s24], [sflag:$0x6], $0x40, s0, s15, $0xb8;
	[tilespmem:$0x1F100] =	vst v63  }
0x8a: {  	_ =	swait.ge [sflag:s23], $0x2000  }
0x8b: {  	s0 =	sshra.s32 s30, $0x2;
	[sflag:s23] =	ssyncset.done $0x0  }
0x8c: {  	s4 =	sadd.s32 $0x280, s0;
	[sflag:s23] =	ssyncadd.s32 $0xFFFFE000  }
0x8d: {  	[tilespmem:s24], [sflag:$0x3] =	stream.indirect.gather [spmem:s2], $0x40, s4, s15, $0xb8;
	[tilespmem:$0x1F100] =	vst v63  }
0x8e: {  	_ =	swait.ge [sflag:s25], $0x2000  }
0x8f: {  	[sflag:s25] =	ssyncset.done $0x0  }
0x90: {  	s30 =	sadd.s32 $0x2A00, s0;
	[sflag:s25] =	ssyncadd.s32 $0xFFFFE000  }
0x91: {  	[spmem:s3] =	stream.indirect.scatter.add.f32 [tilespmem:s21], [sflag:$0x4], $0x40, s30, s15, $0xb8;
	[tilespmem:$0x1F100] =	vst v63  }
0x92: {  	_ =	swait.ge [sflag:s26], $0x2000  }
0x93: {  	[sflag:s26] =	ssyncset.done $0x0  }
0x94: {  	[sflag:s26] =	ssyncadd.s32 $0xFFFFE000  }
0x95: {  	_ =	swait.ge [sflag:s29], $0x2000  }
0x96: {  	[sflag:s29] =	ssyncset.done $0x0  }
0x97: {  	s30 =	sadd.s32 $0x2A80, s0;
	[sflag:s29] =	ssyncadd.s32 $0xFFFFE000  }
0x98: {  	[spmem:s3] =	stream.indirect.scatter.add.f32 [tilespmem:s22], [sflag:$0x5], $0x40, s30, s15, $0xb8;
	[tilespmem:$0x1F100] =	vst v63  }
0x99: {  	_ =	swait.ge [sflag:s31], $0x2000  }
0x9a: {  	[sflag:s31] =	ssyncset.done $0x0  }
0x9b: {  	[sflag:s31] =	ssyncadd.s32 $0xFFFFE000  }
0x9c: {  	_ =	swait.ge [sflag:s1], $0x2000  }
0x9d: {  	[sflag:s1] =	ssyncset.done $0x0  }
0x9e: {  	s0 =	sadd.s32 $0x2B00, s0;
	[sflag:s1] =	ssyncadd.s32 $0xFFFFE000  }
0x9f: {  	[spmem:s3] =	stream.indirect.scatter.add.f32 [tilespmem:s24], [sflag:$0x6], $0x40, s0, s15, $0xb8;
	[tilespmem:$0x1F100] =	vst v63  }
0xa0: {  	_ =	swait.ge [sflag:s23], $0x2000  }
0xa1: {  	s28 =	sadd.s32 $0x1, s28;
	[sflag:s23] =	ssyncset.done $0x0  }
0xa2: {  	p0 =	sne.s32 s28, s14;
	[sflag:s23] =	ssyncadd.s32 $0xFFFFE000  }
.Ltmp2:
0xa3: {  	s30 =	sshrl.u32 s8, $0x3;
	[bflag:$0x0] =	sbarrier.arrive $0xFFFF;
	(pc) =	sbr.rel @p0 .LBB2_1-.Ltmp2, $4  }
0xa4: {  	[hbm:s13], [sflag:s19] =	dma.local [spmem:s30], $0x1400  }
0xa5: {  	_ =	swait.ge [sflag:s17], $0x1400  }
0xa6: {  	[sflag:s17] =	ssyncset.done $0x0  }
0xa7: {  	[sflag:s17] =	ssyncadd.s32 $0xFFFFEC00  }
0xa8: {  	_ =	sfence.sel $0x180000  }
0xa9: {  	[bflag:$0x0] =	sbarrier.arrive $0xFFFF  }
0xaa: {  	_ =	strace $0x9000004A  }
0xab: {  	s0 =	stileid.u32;
	[bflag:$0x2] =	sbarrier.arrive $0xFFFF  }
0xac: {  	p0 =	sne.s32 s0, $0x0;
	s0 =	rddreg [dreg:$0x4]  }
0xad: {  	s0 =	sadd.s32 @!p0 $0x100000, s0  }
0xae: {  	[sflag:s0] =	ssyncadd.tile.s32 @!p0 $0x1;
	_ =	shalt  }
.Lfunc_end2:
_tile_overlayer_lowered:
.L_overlay_start_2:
0xaf: {  	(tag) =	ssettag $0x2  }
0xb0: {  	s0 =	rddreg [dreg:$0x0];
	s2 =	stileid.u32  }
0xb1: {  	s1 =	rddreg [dreg:$0x1];
	p0 =	sne.s32 s2, $0x0  }
0xb2: {  	s3 =	rddreg [dreg:$0x2];
	[bflag:$0x3] =	sbarrier.arrive $0xFFFF;
	s2 =	simm.s32 @!p0 $0x1C07  }
0xb3: {  	[timem:s3], [sflag:s2] =	dma.local @!p0 [hbm:s0], s1  }
0xb4: {  	s0 =	simm.s32 @!p0 $0x7  }
0xb5: {  	_ =	swait.ge @!p0 [sflag:s0], s1  }
0xb6: {  	s1 =	ssub.s32 @!p0 $0x0, s1;
	[sflag:s0] =	ssyncset.done @!p0 $0x0  }
0xb7: {  	[sflag:s0] =	ssyncadd.s32 @!p0 s1  }
0xb8: {  	[bflag:$0x3] =	sbarrier.arrive $0xFFFF  }
0xb9: {  	_ =	shalt  }

// kernel: kernel.15.cloned.1.call-start
scs
__scs_entry_jumppad:
0x0: {  	(pc) =	sbr.rel $0x88, $3  }
0x1: {  	(tag) =	ssettag $0x0;
	lr =	simm.s32 $0x1  }
0x2: {  	[smem:$0x3F9B] =	sst lr;
	_ =	strace $0xD0000000  }
0x3: {  	_ = 	snop  }
0x4: {  	_ = 	snop  }
0x5: {  	_ = 	snop  }
0x6: {  	_ = 	snop  }
0x7: {  	_ = 	snop  }
__scs_overlays_trampoline_lowered:
0x8: {  	[smem:$0x3FAA] =	sst s0  }
0x9: {  	[smem:$0x3FAB] =	sst s1  }
0xa: {  	[smem:$0x3FAC] =	sst s2  }
0xb: {  	[smem:$0x3FAD] =	sst s3  }
0xc: {  	[smem:$0x3FAE] =	sst s4  }
0xd: {  	[smem:$0x3FAF] =	sst s5  }
0xe: {  	[smem:$0x3FB0] =	sst s6  }
0xf: {  	[smem:$0x3FB1] =	sst s7  }
0x10: {  	[smem:$0x3FB2] =	sst s8  }
0x11: {  	[smem:$0x3FB3] =	sst s9;
	s0 =	simm.s32 @!p0 $0x0  }
0x12: {  	s1 =	sld [smem:$0x3F99];
	s0 =	simm.s32 @p0 $0x1  }
0x13: {  	[smem:$0x3FB4] =	sst s0;
	s0 =	simm.s32 @!p1 $0x0  }
0x14: {  	s2 =	sld [smem:$0x3F98];
	s0 =	simm.s32 @p1 $0x1  }
0x15: {  	[smem:$0x3FB5] =	sst s0;
	s0 =	simm.s32 @!p2 $0x0  }
0x16: {  	s3 =	sld [smem:$0x3FDB];
	s0 =	simm.s32 @p2 $0x1  }
0x17: {  	s4 =	simm.s32 $0x1BF5;
	[smem:$0x3FB7] =	sst s0  }
0x18: {  	s0 =	sld [smem:$0x3F9A];
	_ =	swait.ge [sflag:s4], $0x0  }
0x19: {  	s7 =	sld [smem:$0x3F9B]  }
0x1a: {  	s8 =	sadd.s32 $0xFFFFE003, lr  }
0x1b: {  	s9 =	sadd.s32 $0xFFFFFEF7, lr;
	s5 =	simm.s32 $0xFFFFFFFF;
	p2 =	slt.u32 s8, $0xFFFFF086  }
0x1c: {  	p1 =	slt.u32 s9, $0xF7A;
	s5 =	simm.s32 @!p2 $0x0  }
0x1d: {  	s5 =	simm.s32 @p1 $0x1;
	p0 =	seq.s32 s7, s2  }
0x1e: {  	s7 =	smul.u32 @!p0 $0xF7A, s2;
	p2 =	seq.s32 @!p0 s5, $0x0  }
0x1f: {  	s9 =	smul.u32 $0xF7A, s1;
	s8 =	simm.s32 @!p0 $0x1BF5;
	p2 =	por !p2, p0  }
0x20: {  	[sflag:s8] =	ssyncset.s32 @!p0 $0xFFFFF086;
	s6 =	sadd.s32 @!p0 s3, s7;
	s7 =	simm.s32 @!p0 $0x108  }
0x21: {  	s3 =	sadd.s32 s3, s9;
	s6 =	sadd.s32 @!p0 $0x88, s6;
	s7 =	simm.s32 @p2 $0x1082  }
0x22: {  	[simem:s7], [sflag:s8] =	dma.local @!p0 [hbm:s6], $0xF7A  }
0x23: {  	s9 =	sor.u32 $0xD0000000, s2;
	s6 =	simm.s32 $0x108;
	_ =	swait.ge @!p0 [sflag:s8], $0x0  }
0x24: {  	s3 =	sadd.s32 $0x88, s3;
	s6 =	simm.s32 @!p1 $0x1082;
	[sflag:s4] =	ssyncset.s32 $0xFFFFF086  }
0x25: {  	[simem:s6], [sflag:s4] =	dma.local [hbm:s3], $0xF7A  }
0x26: {  	[smem:$0x3F9B] =	sst s1;
	(tag) =	ssettag s2;
	_ =	strace s9  }
0x27: {  	s1 =	sld [smem:$0x3FAB]  }
0x28: {  	s2 =	sld [smem:$0x3FAC]  }
0x29: {  	s4 =	sld [smem:$0x3FAE]  }
0x2a: {  	p0 =	seq.s32 s5, $0x0;
	s5 =	sld [smem:$0x3FAF]  }
0x2b: {  	s6 =	sld [smem:$0x3FB0]  }
0x2c: {  	s7 =	sld [smem:$0x3FB1]  }
0x2d: {  	s3 =	simm.s32 $0x108;
	s8 =	sld [smem:$0x3FB2]  }
0x2e: {  	s3 =	simm.s32 @!p0 $0x1082;
	s9 =	sld [smem:$0x3FB3]  }
0x2f: {  	lr =	sadd.s32 s0, s3;
	s0 =	sld [smem:$0x3FAA]  }
0x30: {  	s3 =	sld [smem:$0x3FAD]  }
0x31: {  	[smem:$0x3FB6] =	sst s10  }
0x32: {  	s10 =	sld [smem:$0x3FB4];
	_ =	sdelay $0x3  }
0x33: {  	p0 =	seq.s32 s10, $0x1;
	s10 =	sld [smem:$0x3FB6];
	_ =	sdelay $0x3  }
0x34: {  	[smem:$0x3FB6] =	sst s10  }
0x35: {  	s10 =	sld [smem:$0x3FB5];
	_ =	sdelay $0x3  }
0x36: {  	p1 =	seq.s32 s10, $0x1;
	s10 =	sld [smem:$0x3FB6];
	_ =	sdelay $0x3  }
0x37: {  	[smem:$0x3FB6] =	sst s10  }
0x38: {  	s10 =	sld [smem:$0x3FB7]  }
0x39: {  	_ = 	snop;
	(pc) =	sbr.ind lr, $3  }
0x3a: {  	_ = 	snop  }
0x3b: {  	_ = 	snop  }
0x3c: {  	p2 =	seq.s32 s10, $0x1;
	s10 =	sld [smem:$0x3FB6]  }
0x3d: {  	_ =	shalt  }
0x3e: {  	_ =	shalt  }
0x3f: {  	_ =	shalt  }
0x40: {  	_ =	shalt  }
0x41: {  	_ =	shalt  }
0x42: {  	_ =	shalt  }
0x43: {  	_ =	shalt  }
0x44: {  	_ =	shalt  }
0x45: {  	_ =	shalt  }
0x46: {  	_ =	shalt  }
0x47: {  	_ =	shalt  }
0x48: {  	_ =	shalt  }
0x49: {  	_ =	shalt  }
0x4a: {  	_ =	shalt  }
0x4b: {  	_ =	shalt  }
0x4c: {  	_ =	shalt  }
0x4d: {  	_ =	shalt  }
0x4e: {  	_ =	shalt  }
0x4f: {  	_ =	shalt  }
0x50: {  	_ =	shalt  }
0x51: {  	_ =	shalt  }
0x52: {  	_ =	shalt  }
0x53: {  	_ =	shalt  }
0x54: {  	_ =	shalt  }
0x55: {  	_ =	shalt  }
0x56: {  	_ =	shalt  }
0x57: {  	_ =	shalt  }
0x58: {  	_ =	shalt  }
0x59: {  	_ =	shalt  }
0x5a: {  	_ =	shalt  }
0x5b: {  	_ =	shalt  }
0x5c: {  	_ =	shalt  }
0x5d: {  	_ =	shalt  }
0x5e: {  	_ =	shalt  }
0x5f: {  	_ =	shalt  }
0x60: {  	_ =	shalt  }
0x61: {  	_ =	shalt  }
0x62: {  	_ =	shalt  }
0x63: {  	_ =	shalt  }
0x64: {  	_ =	shalt  }
0x65: {  	_ =	shalt  }
0x66: {  	_ =	shalt  }
0x67: {  	_ =	shalt  }
0x68: {  	_ =	shalt  }
0x69: {  	_ =	shalt  }
0x6a: {  	_ =	shalt  }
0x6b: {  	_ =	shalt  }
0x6c: {  	_ =	shalt  }
0x6d: {  	_ =	shalt  }
0x6e: {  	_ =	shalt  }
0x6f: {  	_ =	shalt  }
0x70: {  	_ =	shalt  }
0x71: {  	_ =	shalt  }
0x72: {  	_ =	shalt  }
0x73: {  	_ =	shalt  }
0x74: {  	_ =	shalt  }
0x75: {  	_ =	shalt  }
0x76: {  	_ =	shalt  }
0x77: {  	_ =	shalt  }
0x78: {  	_ =	shalt  }
0x79: {  	_ =	shalt  }
0x7a: {  	_ =	shalt  }
0x7b: {  	_ =	shalt  }
0x7c: {  	_ =	shalt  }
0x7d: {  	_ =	shalt  }
0x7e: {  	_ =	shalt  }
0x7f: {  	_ =	shalt  }
0x80: {  	_ =	shalt  }
0x81: {  	_ =	shalt  }
0x82: {  	_ =	shalt  }
0x83: {  	_ =	shalt  }
0x84: {  	_ =	shalt  }
0x85: {  	_ =	shalt  }
0x86: {  	_ =	shalt  }
0x87: {  	_ =	shalt  }
.Lfunc_end0:
.L_simem_size_0:
called_computation.2_lowered:
.L_overlay_start_0:
0x88: {  	s2 =	sld [smem:$0x3FD9]  }
0x89: {  	s3 =	sld [smem:$0x3FFE];
	_ =	sdelay $0x1  }
0x8a: {  	s1 =	srdreg.scid  }
0x8b: {  	s0 =	sand.u32 $0x1, s1  }
0x8c: {  	s14 =	sshll.u32 s0, $0xA;
	s2 =	sadd.s32 s3, s2  }
0x8d: {  	s2 =	sadd.s32 s2, s14  }
0x8e: {  	[smem:$0x3FC2] =	sst s2  }
0x8f: {  	_ = 	snop  }
0x90: {  	s2 =	sld [smem:$0x3FD0];
	_ =	sdelay $0x2  }
0x91: {  	s15 =	simm.s32 $0xA;
	s4 =	simm.s32 $0x10  }
0x92: {  	[smem:s4], [sflag:s15] =	dma.local [hbm:s2], $0x1  }
0x93: {  	_ =	swait.eq [sflag:s15], $0x1  }
0x94: {  	[sflag:s15] =	ssyncset.done $0x0  }
0x95: {  	[sflag:s15] =	ssyncadd.s32 $0xFFFFFFFF  }
0x96: {  	s16 =	sld [smem:$0x10];
	(tm) =	ssettm $0x1  }
0x97: {  	s17 =	sld [smem:$0x3FFB];
	_ =	sdelay $0x3  }
0x98: {  	_ =	strace s17  }
0x99: {  	s3 =	sld [smem:$0x3FFC];
	_ =	sdelay $0x3  }
0x9a: {  	_ =	strace s3  }
0x9b: {  	s3 =	sld [smem:$0x3FFD];
	_ =	sdelay $0x3  }
0x9c: {  	_ =	strace s3  }
0x9d: {  	_ =	strace $0x8FFFFFFF  }
0x9e: {  	s18 =	sld [smem:$0x3FDB];
	_ =	sdelay $0x1  }
0x9f: {  	s19 =	simm.s32 $_scs_section_size  }
0xa0: {  	s5 =	simm.s32 $_size__tile_overlayer_lowered;
	s6 =	simm.s32 $_tile_overlayer_lowered  }
0xa1: {  	s22 =	simm.s32 $0x1BFF;
	s21 =	sshll.u32 s6, $0x1;
	s3 =	sadd.s32 s19, s18  }
0xa2: {  	s7 =	simm.s32 $0x0;
	s20 =	sshll.u32 s5, $0x1;
	s5 =	sadd.s32 s21, s3  }
0xa3: {  	[timem:s7], [sflag:s22] =	dma.local [hbm:s5], s20  }
0xa4: {  	_ =	swait.ge [sflag:s22], s20  }
0xa5: {  	s4 =	ssub.s32 $0x0, s20;
	[sflag:s22] =	ssyncset.done $0x0  }
0xa6: {  	[sflag:s22] =	ssyncadd.s32 s4;
	_ =	sdelay $0x1  }
0xa7: {  	s23 =	simm.s32 $0x1B8B  }
0xa8: {  	_ =	swait.ge [sflag:s23], $0x1  }
0xa9: {  	[sflag:s23] =	ssyncset.done $0x0  }
0xaa: {  	s25 =	simm.s32 $0x1B8E;
	s24 =	sld [smem:$0x3FFE];
	[sflag:s23] =	ssyncadd.s32 $0xFFFFFFFF  }
0xab: {  	s26 =	simm.s32 $execute0_lowered;
	[smem:$0x3FD2] =	sst s25  }
0xac: {  	s5 =	sshll.u32 s26, $0x1;
	_ =	strace $0x8000004C;
	[dreg:$0x1] =	wrdreg $0xFFFFFFFF  }
0xad: {  	s28 =	simm.s32 $_size_execute0_lowered;
	s3 =	sadd.s32 s3, s5;
	[dreg:$0x0] =	wrdreg $0x0  }
0xae: {  	s5 =	sshll.u32 s28, $0x1;
	[dreg:$0x2] =	wrdreg s3  }
0xaf: {  	[dreg:$0x3] =	wrdreg s5  }
0xb0: {  	[dreg:$0x4] =	wrdreg $0xC0  }
0xb1: {  	_ =	task [dreg:s7], $0x5FFFF  }
0xb2: {  	[dreg:$0x1] =	wrdreg $0xFFFFFFFF  }
0xb3: {  	[dreg:$0x0] =	wrdreg $0x60  }
0xb4: {  	[dreg:$0x2] =	wrdreg s24  }
0xb5: {  	[dreg:$0x3] =	wrdreg s16  }
0xb6: {  	[dreg:$0x4] =	wrdreg $0xB1000  }
0xb7: {  	[dreg:$0x5] =	wrdreg $0x151000  }
0xb8: {  	[dreg:$0x6] =	wrdreg $0x9  }
0xb9: {  	_ =	task.clear_ibuf [dreg:s7], $0x7FFFF;
	_ =	strace $0x9000004C  }
0xba: {  	s29 =	simm.s32 $0x9;
	_ =	strace $0x8000004E  }
0xbb: {  	_ =	swait.ge [sflag:s29], $0x1  }
0xbc: {  	[sflag:s29] =	ssyncadd.s32 $0xFFFFFFFF  }
0xbd: {  	_ =	strace $0x9000004E  }
0xbe: {  	_ =	sfence  }
0xbf: {  	s30 =	sld [smem:$0x0];
	_ =	sdelay $0x2  }
0xc0: {  	s31 =	sshll.u32 s1, $0xD;
	s1 =	sshrl.u32 s1, $0x2  }
0xc1: {  	s3 =	sand.u32 $0x4000, s31;
	s1 =	sadd.s32 s1, s30  }
0xc2: {  	s0 =	sor.u32 s3, s0;
	s1 =	sshll.u32 s1, $0x11  }
0xc3: {  	s0 =	sor.u32 s1, s0  }
0xc4: {  	s0 =	sadd.s32 $0x8F2B, s0  }
0xc5: {  	[sflag:s0] =	ssyncadd.remote.s32 $0x1  }
0xc6: {  	_ =	sfence.sel $0xFFFF  }
0xc7: {  	[dreg:$0x0] =	wrdreg $0xFFFFFFFF;
	(pc) =	sbr.abs _section_cstart, $3  }
0xc8: {  	[dreg:$0x1] =	wrdreg $0xFFFFFFFF  }
0xc9: {  	_ =	task.clear_ibuf [dreg:s7], $0x2FFFF;
	_ =	strace $0x9FFFFFFF  }
0xca: {  	(tm) =	ssettm $0x7FFFFFFF  }
0xcb: {  	_ =	shalt  }
tec
execute0_lowered:
.L_overlay_start_1:
0x0: {  	(tag) =	ssettag $0x1  }
0x1: {  	s0 =	rddreg [dreg:$0x0]  }
0x2: {  	s1 =	rddreg [dreg:$0x1]  }
0x3: {  	s2 =	rddreg [dreg:$0x2]  }
0x4: {  	s3 =	rddreg [dreg:$0x3]  }
0x5: {  	s5 =	simm.s32 $0x0;
	s18 =	stileid.u32;
	s4 =	srdreg.scid  }
0x6: {  	s15 =	simm.s32 $0x80;
	s16 =	simm.s32 $0x1000;
	s17 =	simm.s32 $0x7  }
0x7: {  	s21 =	simm.s32 $0x5100;
	s29 =	simm.s32 $0x2;
	s31 =	simm.s32 $0x5  }
0x8: {  	s28 =	simm.s32 $0x0;
	[smem:$0x7FF] =	sst s5;
	s8 =	smul.u32 $0xA000, s18  }
0x9: {  	s4 =	sand.u32 $0x1, s4;
	s9 =	sshll.u32 s18, $0x4;
	s24 =	smul.u32 $0x28000, s18  }
0xa: {  	s30 =	sshll.u32 s18, $0x6;
	s18 =	simm.s32 $0x2880;
	_ =	strace $0x8000004D  }
0xb: {  	s22 =	smul.u32 $0xA0000, s4;
	s7 =	sshll.u32 s4, $0x8;
	s4 =	ssub.s32 $0x2, s4  }
0xc: {  	s19 =	sor.u32 $0x1C07, s30;
	s6 =	sshrl.u32 s8, $0x3;
	s23 =	sor.u32 s9, s7  }
0xd: {  	s25 =	sshrl.u32 s4, $0x1;
	s7 =	sshrl.u32 s24, $0x2;
	s26 =	sadd.s32 s8, s2  }
0xe: {  	s24 =	simm.s32 $0x9100;
	s10 =	sadd.s32 s6, s0;
	s5 =	sadd.s32 s8, s22  }
0xf: {  	s9 =	sadd.s32 s23, s0;
	s4 =	ssub.s32 s4, s25;
	s6 =	sadd.s32 s1, s23  }
0x10: {  	s12 =	sadd.s32 s7, s3;
	s8 =	sadd.s32 s8, s3;
	s20 =	sshrl.u32 s26, $0x3  }
0x11: {  	s22 =	simm.s32 $0x7100;
	s25 =	simm.s32 $0x1;
	s26 =	simm.s32 $0x4  }
0x12: {  	s1 =	simm.s32 $0x3;
	s23 =	simm.s32 $0x6;
	s5 =	sshrl.u32 s5, $0x3  }
0x13: {  	s7 =	sadd.s32 $0xBC00, s10;
	s10 =	sadd.s32 $0x4000, s12;
	s11 =	sadd.s32 $0x6000, s12  }
0x14: {  	s14 =	smax.u32 s4, $0x1;
	s0 =	sadd.s32 s5, s0;
	s5 =	sadd.s32 $0x1A00, s9  }
0x15: {  	v0 =	vimm.f32 $0.0e+00;
	s9 =	sadd.s32 $0x2000, s12;
	s12 =	sadd.s32 $0x8000, s12;
	s13 =	sadd.s32 $0x1FC00, s0  }
.LBB2_1:
0x16: {  	s0 =	simm.s32 $0x0  }
0x17: {  	[tilespmem:s0], [sflag:$0x7] =	stream.strided.gather [hbm4b:s5+s15], $0x2880, s16, s15, $0x38;
	[tilespmem:$0x1F100] =	vst v63  }
0x18: {  	_ =	swait.ge [sflag:s17], $0x2880  }
0x19: {  	[sflag:s17] =	ssyncset.done $0x0  }
0x1a: {  	[sflag:s17] =	ssyncadd.s32 $0xFFFFD780  }
0x1b: {  	[tilespmem:s18], [sflag:$0x7] =	stream.strided.gather [hbm4b:s6+s15], $0x2880, s16, s15, $0x38;
	[tilespmem:$0x1F100] =	vst v63  }
0x1c: {  	_ =	swait.ge [sflag:s17], $0x2880  }
0x1d: {  	[sflag:s17] =	ssyncset.done $0x0  }
0x1e: {  	[sflag:s17] =	ssyncadd.s32 $0xFFFFD780  }
0x1f: {  	[spmem:s20], [sflag:s19] =	dma.local [hbm:s7], $0x1400  }
0x20: {  	_ =	swait.ge [sflag:s17], $0x1400  }
0x21: {  	[sflag:s17] =	ssyncset.done $0x0  }
0x22: {  	s30 =	simm.s32 $0x0;
	s0 =	simm.s32 $0x100;
	[sflag:s17] =	ssyncadd.s32 $0xFFFFEC00  }
.LBB2_2:
0x23: {  	p0 =	sne.s32 s0, $0x7F00;
	[tilespmem:s30+$0x5130] =	vst v0;
	s4 =	smov.u32 s0;
	s0 =	sadd.s32 $0x100, s0  }
.Ltmp0:
0x24: {  	[tilespmem:s30+$0x5120] =	vst v0;
	(pc) =	sbr.rel @p0 .LBB2_2-.Ltmp0, $3  }
0x25: {  	[tilespmem:s30+$0x5100] =	vst v0  }
0x26: {  	[tilespmem:s30+$0x5110] =	vst v0;
	_ =	sdelay $0x1  }
0x27: {  	s30 =	sshra.s32 s4, $0x2  }
0x28: {  	[tilespmem:s30+$0x5130] =	vst v0  }
0x29: {  	[tilespmem:s30+$0x5120] =	vst v0  }
0x2a: {  	[tilespmem:s30+$0x5100] =	vst v0  }
0x2b: {  	[tilespmem:s30+$0x5110] =	vst v0  }
0x2c: {  	[spmem:s8] =	stream.linear.scatter [tilespmem:s21], [sflag:$0x7], $0x2000, $0x38;
	[tilespmem:$0x1F100] =	vst v63  }
0x2d: {  	_ =	swait.ge [sflag:s17], $0x2000  }
0x2e: {  	[sflag:s17] =	ssyncset.done $0x0  }
0x2f: {  	[sflag:s17] =	ssyncadd.s32 $0xFFFFE000  }
0x30: {  	[spmem:s9] =	stream.linear.scatter [tilespmem:s21], [sflag:$0x7], $0x2000, $0x38;
	[tilespmem:$0x1F100] =	vst v63  }
0x31: {  	_ =	swait.ge [sflag:s17], $0x2000  }
0x32: {  	[sflag:s17] =	ssyncset.done $0x0  }
0x33: {  	[sflag:s17] =	ssyncadd.s32 $0xFFFFE000  }
0x34: {  	[spmem:s10] =	stream.linear.scatter [tilespmem:s21], [sflag:$0x7], $0x2000, $0x38;
	[tilespmem:$0x1F100] =	vst v63  }
0x35: {  	_ =	swait.ge [sflag:s17], $0x2000  }
0x36: {  	[sflag:s17] =	ssyncset.done $0x0  }
0x37: {  	[sflag:s17] =	ssyncadd.s32 $0xFFFFE000  }
0x38: {  	[spmem:s11] =	stream.linear.scatter [tilespmem:s21], [sflag:$0x7], $0x2000, $0x38;
	[tilespmem:$0x1F100] =	vst v63  }
0x39: {  	_ =	swait.ge [sflag:s17], $0x2000  }
0x3a: {  	[sflag:s17] =	ssyncset.done $0x0  }
0x3b: {  	[sflag:s17] =	ssyncadd.s32 $0xFFFFE000  }
0x3c: {  	[spmem:s12] =	stream.linear.scatter [tilespmem:s21], [sflag:$0x7], $0x2000, $0x38;
	[tilespmem:$0x1F100] =	vst v63  }
0x3d: {  	_ =	swait.ge [sflag:s17], $0x2000  }
0x3e: {  	[sflag:s17] =	ssyncset.done $0x0  }
0x3f: {  	[sflag:s17] =	ssyncadd.s32 $0xFFFFE000  }
0x40: {  	s0 =	simm.s32 $0x0;
	[bflag:$0x0] =	sbarrier.arrive $0xFFFF  }
0x41: {  	[tilespmem:s21], [sflag:$0x1] =	stream.indirect.gather [spmem:s2], $0x40, s0, s15, $0xb8;
	[tilespmem:$0x1F100] =	vst v63  }
0x42: {  	_ = 	snop  }
0x43: {  	[tilespmem:s22], [sflag:$0x2] =	stream.indirect.gather [spmem:s2], $0x40, s15, s15, $0xb8;
	[tilespmem:$0x1F100] =	vst v63  }
0x44: {  	s4 =	simm.s32 $0x100  }
0x45: {  	[tilespmem:s24], [sflag:$0x3] =	stream.indirect.gather [spmem:s2], $0x40, s4, s15, $0xb8;
	[tilespmem:$0x1F100] =	vst v63  }
0x46: {  	_ =	swait.ge [sflag:s25], $0x2000  }
0x47: {  	[sflag:s25] =	ssyncset.done $0x0  }
0x48: {  	[sflag:s25] =	ssyncadd.s32 $0xFFFFE000  }
0x49: {  	[spmem:s3] =	stream.indirect.scatter.add.f32 [tilespmem:s21], [sflag:$0x4], $0x40, s18, s15, $0xb8;
	[tilespmem:$0x1F100] =	vst v63  }
0x4a: {  	_ =	swait.ge [sflag:s26], $0x2000  }
0x4b: {  	[sflag:s26] =	ssyncset.done $0x0  }
0x4c: {  	s4 =	simm.s32 $0x180;
	[sflag:s26] =	ssyncadd.s32 $0xFFFFE000  }
0x4d: {  	[tilespmem:s21], [sflag:$0x1] =	stream.indirect.gather [spmem:s2], $0x40, s4, s15, $0xb8;
	[tilespmem:$0x1F100] =	vst v63  }
0x4e: {  	_ =	swait.ge [sflag:s29], $0x2000  }
0x4f: {  	[sflag:s29] =	ssyncset.done $0x0  }
0x50: {  	s4 =	simm.s32 $0x2900;
	[sflag:s29] =	ssyncadd.s32 $0xFFFFE000  }
0x51: {  	[spmem:s3] =	stream.indirect.scatter.add.f32 [tilespmem:s22], [sflag:$0x5], $0x40, s4, s15, $0xb8;
	[tilespmem:$0x1F100] =	vst v63  }
0x52: {  	_ =	swait.ge [sflag:s31], $0x2000  }
0x53: {  	[sflag:s31] =	ssyncset.done $0x0  }
0x54: {  	s4 =	simm.s32 $0x200;
	[sflag:s31] =	ssyncadd.s32 $0xFFFFE000  }
0x55: {  	[tilespmem:s22], [sflag:$0x2] =	stream.indirect.gather [spmem:s2], $0x40, s4, s15, $0xb8;
	[tilespmem:$0x1F100] =	vst v63  }
0x56: {  	_ =	swait.ge [sflag:s1], $0x2000  }
0x57: {  	[sflag:s1] =	ssyncset.done $0x0  }
0x58: {  	s4 =	simm.s32 $0x2980;
	[sflag:s1] =	ssyncadd.s32 $0xFFFFE000  }
0x59: {  	[spmem:s3] =	stream.indirect.scatter.add.f32 [tilespmem:s24], [sflag:$0x6], $0x40, s4, s15, $0xb8;
	[tilespmem:$0x1F100] =	vst v63  }
0x5a: {  	_ =	swait.ge [sflag:s23], $0x2000  }
0x5b: {  	[sflag:s23] =	ssyncset.done $0x0  }
0x5c: {  	s4 =	simm.s32 $0x280;
	[sflag:s23] =	ssyncadd.s32 $0xFFFFE000  }
0x5d: {  	[tilespmem:s24], [sflag:$0x3] =	stream.indirect.gather [spmem:s2], $0x40, s4, s15, $0xb8;
	[tilespmem:$0x1F100] =	vst v63  }
0x5e: {  	_ =	swait.ge [sflag:s25], $0x2000  }
0x5f: {  	[sflag:s25] =	ssyncset.done $0x0  }
0x60: {  	s4 =	simm.s32 $0x2A00;
	[sflag:s25] =	ssyncadd.s32 $0xFFFFE000  }
0x61: {  	[spmem:s3] =	stream.indirect.scatter.add.f32 [tilespmem:s21], [sflag:$0x4], $0x40, s4, s15, $0xb8;
	[tilespmem:$0x1F100] =	vst v63  }
0x62: {  	_ =	swait.ge [sflag:s26], $0x2000  }
0x63: {  	[sflag:s26] =	ssyncset.done $0x0  }
0x64: {  	s4 =	simm.s32 $0x300;
	[sflag:s26] =	ssyncadd.s32 $0xFFFFE000  }
0x65: {  	[tilespmem:s21], [sflag:$0x1] =	stream.indirect.gather [spmem:s2], $0x40, s4, s15, $0xb8;
	[tilespmem:$0x1F100] =	vst v63  }
0x66: {  	_ =	swait.ge [sflag:s29], $0x2000  }
0x67: {  	[sflag:s29] =	ssyncset.done $0x0  }
0x68: {  	s4 =	simm.s32 $0x2A80;
	[sflag:s29] =	ssyncadd.s32 $0xFFFFE000  }
0x69: {  	[spmem:s3] =	stream.indirect.scatter.add.f32 [tilespmem:s22], [sflag:$0x5], $0x40, s4, s15, $0xb8;
	[tilespmem:$0x1F100] =	vst v63  }
0x6a: {  	_ =	swait.ge [sflag:s31], $0x2000  }
0x6b: {  	[sflag:s31] =	ssyncset.done $0x0  }
0x6c: {  	s4 =	simm.s32 $0x380;
	[sflag:s31] =	ssyncadd.s32 $0xFFFFE000  }
0x6d: {  	[tilespmem:s22], [sflag:$0x2] =	stream.indirect.gather [spmem:s2], $0x40, s4, s15, $0xb8;
	[tilespmem:$0x1F100] =	vst v63  }
0x6e: {  	_ =	swait.ge [sflag:s1], $0x2000  }
0x6f: {  	[sflag:s1] =	ssyncset.done $0x0  }
0x70: {  	s30 =	simm.s32 $0x600;
	s0 =	simm.s32 $0x2B00;
	[sflag:s1] =	ssyncadd.s32 $0xFFFFE000  }
.LBB2_4:
0x71: {  	[spmem:s3] =	stream.indirect.scatter.add.f32 [tilespmem:s24], [sflag:$0x6], $0x40, s0, s15, $0xb8;
	[tilespmem:$0x1F100] =	vst v63  }
0x72: {  	s0 =	smov.u32 s30;
	s30 =	sadd.s32 $0x600, s30;
	_ =	swait.ge [sflag:s23], $0x2000  }
0x73: {  	s0 =	sshra.s32 s0, $0x2;
	p0 =	sne.s32 s30, $0x9600;
	[sflag:s23] =	ssyncset.done $0x0  }
0x74: {  	s4 =	sadd.s32 $0x280, s0;
	[sflag:s23] =	ssyncadd.s32 $0xFFFFE000  }
0x75: {  	[tilespmem:s24], [sflag:$0x3] =	stream.indirect.gather [spmem:s2], $0x40, s4, s15, $0xb8;
	[tilespmem:$0x1F100] =	vst v63  }
0x76: {  	_ =	swait.ge [sflag:s25], $0x2000  }
0x77: {  	[sflag:s25] =	ssyncset.done $0x0  }
0x78: {  	s4 =	sadd.s32 $0x2A00, s0;
	[sflag:s25] =	ssyncadd.s32 $0xFFFFE000  }
0x79: {  	[spmem:s3] =	stream.indirect.scatter.add.f32 [tilespmem:s21], [sflag:$0x4], $0x40, s4, s15, $0xb8;
	[tilespmem:$0x1F100] =	vst v63  }
0x7a: {  	_ =	swait.ge [sflag:s26], $0x2000  }
0x7b: {  	[sflag:s26] =	ssyncset.done $0x0  }
0x7c: {  	s4 =	sadd.s32 $0x300, s0;
	[sflag:s26] =	ssyncadd.s32 $0xFFFFE000  }
0x7d: {  	[tilespmem:s21], [sflag:$0x1] =	stream.indirect.gather [spmem:s2], $0x40, s4, s15, $0xb8;
	[tilespmem:$0x1F100] =	vst v63  }
0x7e: {  	_ =	swait.ge [sflag:s29], $0x2000  }
0x7f: {  	[sflag:s29] =	ssyncset.done $0x0  }
0x80: {  	s4 =	sadd.s32 $0x2A80, s0;
	[sflag:s29] =	ssyncadd.s32 $0xFFFFE000  }
0x81: {  	[spmem:s3] =	stream.indirect.scatter.add.f32 [tilespmem:s22], [sflag:$0x5], $0x40, s4, s15, $0xb8;
	[tilespmem:$0x1F100] =	vst v63  }
0x82: {  	_ =	swait.ge [sflag:s31], $0x2000  }
0x83: {  	[sflag:s31] =	ssyncset.done $0x0  }
.Ltmp1:
0x84: {  	s4 =	sadd.s32 $0x380, s0;
	[sflag:s31] =	ssyncadd.s32 $0xFFFFE000;
	(pc) =	sbr.rel @p0 .LBB2_4-.Ltmp1, $4  }
0x85: {  	[tilespmem:s22], [sflag:$0x2] =	stream.indirect.gather [spmem:s2], $0x40, s4, s15, $0xb8;
	[tilespmem:$0x1F100] =	vst v63  }
0x86: {  	_ =	swait.ge [sflag:s1], $0x2000  }
0x87: {  	[sflag:s1] =	ssyncset.done $0x0  }
0x88: {  	s0 =	sadd.s32 $0x2B00, s0;
	[sflag:s1] =	ssyncadd.s32 $0xFFFFE000  }
0x89: {  	[spmem:s3] =	stream.indirect.scatter.add.f32 [tilespmem:s24], [sflag:$0x6], $0x40, s0, s15, $0xb8;
	[tilespmem:$0x1F100] =	vst v63  }
0x8a: {  	_ =	swait.ge [sflag:s23], $0x2000  }
0x8b: {  	s0 =	sshra.s32 s30, $0x2;
	[sflag:s23] =	ssyncset.done $0x0  }
0x8c: {  	s4 =	sadd.s32 $0x280, s0;
	[sflag:s23] =	ssyncadd.s32 $0xFFFFE000  }
0x8d: {  	[tilespmem:s24], [sflag:$0x3] =	stream.indirect.gather [spmem:s2], $0x40, s4, s15, $0xb8;
	[tilespmem:$0x1F100] =	vst v63  }
0x8e: {  	_ =	swait.ge [sflag:s25], $0x2000  }
0x8f: {  	[sflag:s25] =	ssyncset.done $0x0  }
0x90: {  	s30 =	sadd.s32 $0x2A00, s0;
	[sflag:s25] =	ssyncadd.s32 $0xFFFFE000  }
0x91: {  	[spmem:s3] =	stream.indirect.scatter.add.f32 [tilespmem:s21], [sflag:$0x4], $0x40, s30, s15, $0xb8;
	[tilespmem:$0x1F100] =	vst v63  }
0x92: {  	_ =	swait.ge [sflag:s26], $0x2000  }
0x93: {  	[sflag:s26] =	ssyncset.done $0x0  }
0x94: {  	[sflag:s26] =	ssyncadd.s32 $0xFFFFE000  }
0x95: {  	_ =	swait.ge [sflag:s29], $0x2000  }
0x96: {  	[sflag:s29] =	ssyncset.done $0x0  }
0x97: {  	s30 =	sadd.s32 $0x2A80, s0;
	[sflag:s29] =	ssyncadd.s32 $0xFFFFE000  }
0x98: {  	[spmem:s3] =	stream.indirect.scatter.add.f32 [tilespmem:s22], [sflag:$0x5], $0x40, s30, s15, $0xb8;
	[tilespmem:$0x1F100] =	vst v63  }
0x99: {  	_ =	swait.ge [sflag:s31], $0x2000  }
0x9a: {  	[sflag:s31] =	ssyncset.done $0x0  }
0x9b: {  	[sflag:s31] =	ssyncadd.s32 $0xFFFFE000  }
0x9c: {  	_ =	swait.ge [sflag:s1], $0x2000  }
0x9d: {  	[sflag:s1] =	ssyncset.done $0x0  }
0x9e: {  	s0 =	sadd.s32 $0x2B00, s0;
	[sflag:s1] =	ssyncadd.s32 $0xFFFFE000  }
0x9f: {  	[spmem:s3] =	stream.indirect.scatter.add.f32 [tilespmem:s24], [sflag:$0x6], $0x40, s0, s15, $0xb8;
	[tilespmem:$0x1F100] =	vst v63  }
0xa0: {  	_ =	swait.ge [sflag:s23], $0x2000  }
0xa1: {  	s28 =	sadd.s32 $0x1, s28;
	[sflag:s23] =	ssyncset.done $0x0  }
0xa2: {  	p0 =	sne.s32 s28, s14;
	[sflag:s23] =	ssyncadd.s32 $0xFFFFE000  }
.Ltmp2:
0xa3: {  	s30 =	sshrl.u32 s8, $0x3;
	[bflag:$0x0] =	sbarrier.arrive $0xFFFF;
	(pc) =	sbr.rel @p0 .LBB2_1-.Ltmp2, $4  }
0xa4: {  	[hbm:s13], [sflag:s19] =	dma.local [spmem:s30], $0x1400  }
0xa5: {  	_ =	swait.ge [sflag:s17], $0x1400  }
0xa6: {  	[sflag:s17] =	ssyncset.done $0x0  }
0xa7: {  	[sflag:s17] =	ssyncadd.s32 $0xFFFFEC00  }
0xa8: {  	_ =	sfence.sel $0x180000  }
0xa9: {  	[bflag:$0x0] =	sbarrier.arrive $0xFFFF  }
0xaa: {  	_ =	strace $0x9000004D  }
0xab: {  	s0 =	stileid.u32;
	[bflag:$0x2] =	sbarrier.arrive $0xFFFF  }
0xac: {  	p0 =	sne.s32 s0, $0x0;
	s0 =	rddreg [dreg:$0x4]  }
0xad: {  	s0 =	sadd.s32 @!p0 $0x100000, s0  }
0xae: {  	[sflag:s0] =	ssyncadd.tile.s32 @!p0 $0x1;
	_ =	shalt  }
.Lfunc_end2:
_tile_overlayer_lowered:
.L_overlay_start_2:
0xaf: {  	(tag) =	ssettag $0x2  }
0xb0: {  	s0 =	rddreg [dreg:$0x0];
	s2 =	stileid.u32  }
0xb1: {  	s1 =	rddreg [dreg:$0x1];
	p0 =	sne.s32 s2, $0x0  }
0xb2: {  	s3 =	rddreg [dreg:$0x2];
	[bflag:$0x3] =	sbarrier.arrive $0xFFFF;
	s2 =	simm.s32 @!p0 $0x1C07  }
0xb3: {  	[timem:s3], [sflag:s2] =	dma.local @!p0 [hbm:s0], s1  }
0xb4: {  	s0 =	simm.s32 @!p0 $0x7  }
0xb5: {  	_ =	swait.ge @!p0 [sflag:s0], s1  }
0xb6: {  	s1 =	ssub.s32 @!p0 $0x0, s1;
	[sflag:s0] =	ssyncset.done @!p0 $0x0  }
0xb7: {  	[sflag:s0] =	ssyncadd.s32 @!p0 s1  }
0xb8: {  	[bflag:$0x3] =	sbarrier.arrive $0xFFFF  }
0xb9: {  	_ =	shalt  }

// kernel: kernel.9.cloned.1.call-start
scs
__scs_entry_jumppad:
0x0: {  	(pc) =	sbr.rel $0x88, $3  }
0x1: {  	(tag) =	ssettag $0x0;
	lr =	simm.s32 $0x1  }
0x2: {  	[smem:$0x3F9B] =	sst lr;
	_ =	strace $0xD0000000  }
0x3: {  	_ = 	snop  }
0x4: {  	_ = 	snop  }
0x5: {  	_ = 	snop  }
0x6: {  	_ = 	snop  }
0x7: {  	_ = 	snop  }
__scs_overlays_trampoline_lowered:
0x8: {  	[smem:$0x3FAA] =	sst s0  }
0x9: {  	[smem:$0x3FAB] =	sst s1  }
0xa: {  	[smem:$0x3FAC] =	sst s2  }
0xb: {  	[smem:$0x3FAD] =	sst s3  }
0xc: {  	[smem:$0x3FAE] =	sst s4  }
0xd: {  	[smem:$0x3FAF] =	sst s5  }
0xe: {  	[smem:$0x3FB0] =	sst s6  }
0xf: {  	[smem:$0x3FB1] =	sst s7  }
0x10: {  	[smem:$0x3FB2] =	sst s8  }
0x11: {  	[smem:$0x3FB3] =	sst s9;
	s0 =	simm.s32 @!p0 $0x0  }
0x12: {  	s1 =	sld [smem:$0x3F99];
	s0 =	simm.s32 @p0 $0x1  }
0x13: {  	[smem:$0x3FB4] =	sst s0;
	s0 =	simm.s32 @!p1 $0x0  }
0x14: {  	s2 =	sld [smem:$0x3F98];
	s0 =	simm.s32 @p1 $0x1  }
0x15: {  	[smem:$0x3FB5] =	sst s0;
	s0 =	simm.s32 @!p2 $0x0  }
0x16: {  	s3 =	sld [smem:$0x3FDB];
	s0 =	simm.s32 @p2 $0x1  }
0x17: {  	s4 =	simm.s32 $0x1BF5;
	[smem:$0x3FB7] =	sst s0  }
0x18: {  	s0 =	sld [smem:$0x3F9A];
	_ =	swait.ge [sflag:s4], $0x0  }
0x19: {  	s7 =	sld [smem:$0x3F9B]  }
0x1a: {  	s8 =	sadd.s32 $0xFFFFE003, lr  }
0x1b: {  	s9 =	sadd.s32 $0xFFFFFEF7, lr;
	s5 =	simm.s32 $0xFFFFFFFF;
	p2 =	slt.u32 s8, $0xFFFFF086  }
0x1c: {  	p1 =	slt.u32 s9, $0xF7A;
	s5 =	simm.s32 @!p2 $0x0  }
0x1d: {  	s5 =	simm.s32 @p1 $0x1;
	p0 =	seq.s32 s7, s2  }
0x1e: {  	s7 =	smul.u32 @!p0 $0xF7A, s2;
	p2 =	seq.s32 @!p0 s5, $0x0  }
0x1f: {  	s9 =	smul.u32 $0xF7A, s1;
	s8 =	simm.s32 @!p0 $0x1BF5;
	p2 =	por !p2, p0  }
0x20: {  	[sflag:s8] =	ssyncset.s32 @!p0 $0xFFFFF086;
	s6 =	sadd.s32 @!p0 s3, s7;
	s7 =	simm.s32 @!p0 $0x108  }
0x21: {  	s3 =	sadd.s32 s3, s9;
	s6 =	sadd.s32 @!p0 $0x88, s6;
	s7 =	simm.s32 @p2 $0x1082  }
0x22: {  	[simem:s7], [sflag:s8] =	dma.local @!p0 [hbm:s6], $0xF7A  }
0x23: {  	s9 =	sor.u32 $0xD0000000, s2;
	s6 =	simm.s32 $0x108;
	_ =	swait.ge @!p0 [sflag:s8], $0x0  }
0x24: {  	s3 =	sadd.s32 $0x88, s3;
	s6 =	simm.s32 @!p1 $0x1082;
	[sflag:s4] =	ssyncset.s32 $0xFFFFF086  }
0x25: {  	[simem:s6], [sflag:s4] =	dma.local [hbm:s3], $0xF7A  }
0x26: {  	[smem:$0x3F9B] =	sst s1;
	(tag) =	ssettag s2;
	_ =	strace s9  }
0x27: {  	s1 =	sld [smem:$0x3FAB]  }
0x28: {  	s2 =	sld [smem:$0x3FAC]  }
0x29: {  	s4 =	sld [smem:$0x3FAE]  }
0x2a: {  	p0 =	seq.s32 s5, $0x0;
	s5 =	sld [smem:$0x3FAF]  }
0x2b: {  	s6 =	sld [smem:$0x3FB0]  }
0x2c: {  	s7 =	sld [smem:$0x3FB1]  }
0x2d: {  	s3 =	simm.s32 $0x108;
	s8 =	sld [smem:$0x3FB2]  }
0x2e: {  	s3 =	simm.s32 @!p0 $0x1082;
	s9 =	sld [smem:$0x3FB3]  }
0x2f: {  	lr =	sadd.s32 s0, s3;
	s0 =	sld [smem:$0x3FAA]  }
0x30: {  	s3 =	sld [smem:$0x3FAD]  }
0x31: {  	[smem:$0x3FB6] =	sst s10  }
0x32: {  	s10 =	sld [smem:$0x3FB4];
	_ =	sdelay $0x3  }
0x33: {  	p0 =	seq.s32 s10, $0x1;
	s10 =	sld [smem:$0x3FB6];
	_ =	sdelay $0x3  }
0x34: {  	[smem:$0x3FB6] =	sst s10  }
0x35: {  	s10 =	sld [smem:$0x3FB5];
	_ =	sdelay $0x3  }
0x36: {  	p1 =	seq.s32 s10, $0x1;
	s10 =	sld [smem:$0x3FB6];
	_ =	sdelay $0x3  }
0x37: {  	[smem:$0x3FB6] =	sst s10  }
0x38: {  	s10 =	sld [smem:$0x3FB7]  }
0x39: {  	_ = 	snop;
	(pc) =	sbr.ind lr, $3  }
0x3a: {  	_ = 	snop  }
0x3b: {  	_ = 	snop  }
0x3c: {  	p2 =	seq.s32 s10, $0x1;
	s10 =	sld [smem:$0x3FB6]  }
0x3d: {  	_ =	shalt  }
0x3e: {  	_ =	shalt  }
0x3f: {  	_ =	shalt  }
0x40: {  	_ =	shalt  }
0x41: {  	_ =	shalt  }
0x42: {  	_ =	shalt  }
0x43: {  	_ =	shalt  }
0x44: {  	_ =	shalt  }
0x45: {  	_ =	shalt  }
0x46: {  	_ =	shalt  }
0x47: {  	_ =	shalt  }
0x48: {  	_ =	shalt  }
0x49: {  	_ =	shalt  }
0x4a: {  	_ =	shalt  }
0x4b: {  	_ =	shalt  }
0x4c: {  	_ =	shalt  }
0x4d: {  	_ =	shalt  }
0x4e: {  	_ =	shalt  }
0x4f: {  	_ =	shalt  }
0x50: {  	_ =	shalt  }
0x51: {  	_ =	shalt  }
0x52: {  	_ =	shalt  }
0x53: {  	_ =	shalt  }
0x54: {  	_ =	shalt  }
0x55: {  	_ =	shalt  }
0x56: {  	_ =	shalt  }
0x57: {  	_ =	shalt  }
0x58: {  	_ =	shalt  }
0x59: {  	_ =	shalt  }
0x5a: {  	_ =	shalt  }
0x5b: {  	_ =	shalt  }
0x5c: {  	_ =	shalt  }
0x5d: {  	_ =	shalt  }
0x5e: {  	_ =	shalt  }
0x5f: {  	_ =	shalt  }
0x60: {  	_ =	shalt  }
0x61: {  	_ =	shalt  }
0x62: {  	_ =	shalt  }
0x63: {  	_ =	shalt  }
0x64: {  	_ =	shalt  }
0x65: {  	_ =	shalt  }
0x66: {  	_ =	shalt  }
0x67: {  	_ =	shalt  }
0x68: {  	_ =	shalt  }
0x69: {  	_ =	shalt  }
0x6a: {  	_ =	shalt  }
0x6b: {  	_ =	shalt  }
0x6c: {  	_ =	shalt  }
0x6d: {  	_ =	shalt  }
0x6e: {  	_ =	shalt  }
0x6f: {  	_ =	shalt  }
0x70: {  	_ =	shalt  }
0x71: {  	_ =	shalt  }
0x72: {  	_ =	shalt  }
0x73: {  	_ =	shalt  }
0x74: {  	_ =	shalt  }
0x75: {  	_ =	shalt  }
0x76: {  	_ =	shalt  }
0x77: {  	_ =	shalt  }
0x78: {  	_ =	shalt  }
0x79: {  	_ =	shalt  }
0x7a: {  	_ =	shalt  }
0x7b: {  	_ =	shalt  }
0x7c: {  	_ =	shalt  }
0x7d: {  	_ =	shalt  }
0x7e: {  	_ =	shalt  }
0x7f: {  	_ =	shalt  }
0x80: {  	_ =	shalt  }
0x81: {  	_ =	shalt  }
0x82: {  	_ =	shalt  }
0x83: {  	_ =	shalt  }
0x84: {  	_ =	shalt  }
0x85: {  	_ =	shalt  }
0x86: {  	_ =	shalt  }
0x87: {  	_ =	shalt  }
.Lfunc_end0:
.L_simem_size_0:
called_computation_lowered:
.L_overlay_start_0:
0x88: {  	s2 =	sld [smem:$0x3FD9]  }
0x89: {  	s3 =	sld [smem:$0x3FFE];
	_ =	sdelay $0x1  }
0x8a: {  	s1 =	srdreg.scid  }
0x8b: {  	s0 =	sand.u32 $0x1, s1  }
0x8c: {  	s15 =	sshll.u32 s0, $0xA;
	s2 =	sadd.s32 s3, s2  }
0x8d: {  	s2 =	sadd.s32 s2, s15  }
0x8e: {  	[smem:$0x3FC2] =	sst s2  }
0x8f: {  	_ = 	snop  }
0x90: {  	s2 =	sld [smem:$0x3FD0];
	_ =	sdelay $0x2  }
0x91: {  	s16 =	simm.s32 $0xA;
	s4 =	simm.s32 $0x10  }
0x92: {  	[smem:s4], [sflag:s16] =	dma.local [hbm:s2], $0x1  }
0x93: {  	_ =	swait.eq [sflag:s16], $0x1  }
0x94: {  	[sflag:s16] =	ssyncset.done $0x0  }
0x95: {  	s17 =	sld [smem:$0x10];
	[sflag:s16] =	ssyncadd.s32 $0xFFFFFFFF  }
0x96: {  	s18 =	sld [smem:$0x11];
	(tm) =	ssettm $0x1  }
0x97: {  	s19 =	sld [smem:$0x3FFB];
	_ =	sdelay $0x3  }
0x98: {  	_ =	strace s19  }
0x99: {  	s4 =	sld [smem:$0x3FFC];
	_ =	sdelay $0x3  }
0x9a: {  	_ =	strace s4  }
0x9b: {  	s4 =	sld [smem:$0x3FFD];
	_ =	sdelay $0x3  }
0x9c: {  	_ =	strace s4  }
0x9d: {  	_ =	strace $0x8FFFFFFF  }
0x9e: {  	s20 =	sld [smem:$0x3FDB];
	_ =	sdelay $0x1  }
0x9f: {  	s5 =	simm.s32 $_scs_section_size  }
0xa0: {  	s6 =	simm.s32 $_size__tile_overlayer_lowered;
	s7 =	simm.s32 $_tile_overlayer_lowered  }
0xa1: {  	s23 =	simm.s32 $0x1BFF;
	s22 =	sshll.u32 s7, $0x1;
	s4 =	sadd.s32 s5, s20  }
0xa2: {  	s8 =	simm.s32 $0x0;
	s21 =	sshll.u32 s6, $0x1;
	s6 =	sadd.s32 s22, s4  }
0xa3: {  	[timem:s8], [sflag:s23] =	dma.local [hbm:s6], s21  }
0xa4: {  	_ =	swait.ge [sflag:s23], s21  }
0xa5: {  	s5 =	ssub.s32 $0x0, s21;
	[sflag:s23] =	ssyncset.done $0x0  }
0xa6: {  	[sflag:s23] =	ssyncadd.s32 s5;
	_ =	sdelay $0x1  }
0xa7: {  	s24 =	simm.s32 $0x1B8B  }
0xa8: {  	_ =	swait.ge [sflag:s24], $0x1  }
0xa9: {  	[sflag:s24] =	ssyncset.done $0x0  }
0xaa: {  	s25 =	simm.s32 $0x1B8E;
	[sflag:s24] =	ssyncadd.s32 $0xFFFFFFFF  }
0xab: {  	s26 =	simm.s32 $execute0_lowered;
	[smem:$0x3FD2] =	sst s25  }
0xac: {  	s5 =	sshll.u32 s26, $0x1;
	_ =	strace $0x80000046;
	[dreg:$0x1] =	wrdreg $0xFFFFFFFF  }
0xad: {  	s28 =	simm.s32 $_size_execute0_lowered;
	s4 =	sadd.s32 s4, s5;
	[dreg:$0x0] =	wrdreg $0x0  }
0xae: {  	s5 =	sshll.u32 s28, $0x1;
	[dreg:$0x2] =	wrdreg s4  }
0xaf: {  	[dreg:$0x3] =	wrdreg s5  }
0xb0: {  	[dreg:$0x4] =	wrdreg $0xC0  }
0xb1: {  	_ =	task [dreg:s8], $0x5FFFF  }
0xb2: {  	[dreg:$0x1] =	wrdreg $0xFFFFFFFF  }
0xb3: {  	[dreg:$0x0] =	wrdreg $0x60  }
0xb4: {  	[dreg:$0x2] =	wrdreg s17  }
0xb5: {  	[dreg:$0x3] =	wrdreg s18  }
0xb6: {  	[dreg:$0x4] =	wrdreg $0x9  }
0xb7: {  	_ =	task.clear_ibuf [dreg:s8], $0x5FFFF;
	_ =	strace $0x90000046  }
0xb8: {  	s29 =	simm.s32 $0x9;
	_ =	strace $0x80000048  }
0xb9: {  	_ =	swait.ge [sflag:s29], $0x1  }
0xba: {  	[sflag:s29] =	ssyncadd.s32 $0xFFFFFFFF  }
0xbb: {  	_ =	strace $0x90000048  }
0xbc: {  	_ =	sfence  }
0xbd: {  	s30 =	sld [smem:$0x0];
	_ =	sdelay $0x2  }
0xbe: {  	s31 =	sshll.u32 s1, $0xD;
	s1 =	sshrl.u32 s1, $0x2  }
0xbf: {  	s3 =	sand.u32 $0x4000, s31;
	s1 =	sadd.s32 s1, s30  }
0xc0: {  	s0 =	sor.u32 s3, s0;
	s1 =	sshll.u32 s1, $0x11  }
0xc1: {  	s0 =	sor.u32 s1, s0  }
0xc2: {  	s0 =	sadd.s32 $0x8F2B, s0  }
0xc3: {  	[sflag:s0] =	ssyncadd.remote.s32 $0x1  }
0xc4: {  	_ =	sfence.sel $0xFFFF  }
0xc5: {  	[dreg:$0x0] =	wrdreg $0xFFFFFFFF;
	(pc) =	sbr.abs _section_cstart, $3  }
0xc6: {  	[dreg:$0x1] =	wrdreg $0xFFFFFFFF  }
0xc7: {  	_ =	task.clear_ibuf [dreg:s8], $0x2FFFF;
	_ =	strace $0x9FFFFFFF  }
0xc8: {  	(tm) =	ssettm $0x7FFFFFFF  }
0xc9: {  	_ =	shalt  }
tec
execute0_lowered:
.L_overlay_start_1:
0x0: {  	(tag) =	ssettag $0x1  }
0x1: {  	s0 =	srdreg.scid;
	s3 =	rddreg [dreg:$0x0]  }
0x2: {  	s5 =	rddreg [dreg:$0x1];
	s1 =	stileid.u32;
	s2 =	simm.s32 $0x0  }
0x3: {  	s10 =	simm.s32 $0x400;
	s4 =	sand.u32 $0x1, s0;
	s0 =	rddreg [dreg:$0x2]  }
0x4: {  	s11 =	simm.s32 $0x0;
	[smem:$0x7FF] =	sst s2;
	s6 =	sshll.u32 s4, $0x4  }
0x5: {  	s7 =	sshll.u32 s1, $0x7;
	_ =	strace $0x80000047;
	s6 =	sor.u32 s1, s6  }
0x6: {  	s4 =	ssub.s32 $0x2, s4;
	s7 =	sand.u32 $0x380, s7;
	s6 =	sshrl.u32 s6, $0x3  }
0x7: {  	s9 =	sshrl.u32 s4, $0x1;
	s8 =	smul.u32 $0x14000, s6;
	s6 =	sshll.u32 s6, $0xA  }
0x8: {  	s29 =	ssub.s32 s4, s9;
	s9 =	simm.s32 $0x2C00;
	s6 =	sor.u32 s7, s6  }
0x9: {  	s7 =	sor.u32 s7, s8;
	s30 =	sshrl.u32 s6, $0x3;
	s6 =	simm.s32 $0x80  }
0xa: {  	s8 =	simm.s32 $0x1;
	s31 =	sshrl.u32 s7, $0x3;
	s3 =	sadd.s32 s3, s30  }
0xb: {  	v0 =	vimm.f32 $0.0e+00;
	v1 =	vimm.f32 $1.000000000e+00;
	s7 =	simm.s32 $0x1000;
	s4 =	sadd.s32 s5, s31;
	s5 =	smax.u32 s29, $0x1  }
.LBB2_1:
0xc: {  	[tilespmem:s2], [sflag:$0x1] =	stream.strided.gather [hbm4b:s3+s6], $0x2880, s7, s6, $0x38;
	[tilespmem:$0x5400] =	vst v63  }
0xd: {  	_ =	swait.ge [sflag:s8], $0x2880  }
0xe: {  	[sflag:s8] =	ssyncset.done $0x0  }
0xf: {  	s12 =	simm.s32 $0x0;
	[sflag:s8] =	ssyncadd.s32 $0xFFFFD780  }
.LBB2_2:
0x10: {  	p0 =	sne.s32 s12, $0x9FC0  }
.Ltmp0:
0x11: {  	_ = 	snop;
	(pc) =	sbr.rel @p0 .LBB2_2-.Ltmp0, $3  }
0x12: {  	_ =	sdelay $0x1  }
0x13: {  	s13 =	sshra.s32 s12, $0x2  }
0x14: {  	s12 =	sadd.s32 $0x40, s12;
	[tilespmem:s13+$0x2C00] =	vst v0  }
0x15: {  	s12 =	simm.s32 $0x0  }
0x16: {  	s13 =	sand.u32 $0xFE00, s12  }
0x17: {  	s12 =	sand.u32 $0x70, s12;
	s13 =	sshrl.u32 s13, $0x2  }
0x18: {  	s12 =	sor.u32 s12, s13  }
0x19: {  	v2 =	vld [tilespmem:s12+$0x0];
	_ =	sdelay $0x4  }
0x1a: {  	s14 =	simm.s32 $0x40  }
0x1b: {  	s14 =	sand.u32 $0xFE00, s14;
	s13 =	simm.s32 $0x80;
	s12 =	simm.s32 $0x10  }
.LBB2_4:
0x1c: {  	p0 =	sne.s32 s13, $0xA1C0;
	s15 =	sand.u32 $0x70, s12;
	s14 =	sshrl.u32 s14, $0x2  }
0x1d: {  	s14 =	sor.u32 s15, s14;
	[tilespmem:v2+s9+$0x0] =	vst.idx.add.f32.msk $0xffff, v1  }
0x1e: {  	v2 =	vld [tilespmem:s14+$0x0];
	_ =	sdelay $0x1  }
.Ltmp1:
0x1f: {  	(pc) =	sbr.rel @p0 .LBB2_4-.Ltmp1, $2  }
0x20: {  	_ =	sdelay $0x2  }
0x21: {  	s12 =	sadd.s32 $0x10, s12;
	s14 =	sand.u32 $0xFE00, s13;
	s13 =	sadd.s32 $0x40, s13  }
0x22: {  	_ =	sdelay $0x2  }
0x23: {  	s12 =	sand.u32 $0x70, s12;
	s13 =	sshrl.u32 s14, $0x2  }
0x24: {  	[tilespmem:v2+s9+$0x0] =	vst.idx.add.f32.msk $0xffff, v1;
	s12 =	sor.u32 s12, s13  }
0x25: {  	v2 =	vld [tilespmem:s12+$0x0];
	_ =	sdelay $0x5  }
0x26: {  	s11 =	sadd.s32 $0x1, s11  }
0x27: {  	p0 =	sne.s32 s11, s5  }
.Ltmp2:
0x28: {  	[tilespmem:v2+s9+$0x0] =	vst.idx.add.f32.msk $0xffff, v1;
	(pc) =	sbr.rel @p0 .LBB2_1-.Ltmp2, $4  }
0x29: {  	[hbm4b:s4+s6] =	stream.strided.scatter [tilespmem:s9], [sflag:$0x1], $0x2800, s10, s6, $0x38;
	[tilespmem:$0x5400] =	vst v63  }
0x2a: {  	_ =	swait.ge [sflag:s8], $0x2800  }
0x2b: {  	[sflag:s8] =	ssyncset.done $0x0  }
0x2c: {  	[sflag:s8] =	ssyncadd.s32 $0xFFFFD800  }
0x2d: {  	_ =	sfence.sel $0x180000  }
0x2e: {  	[bflag:$0x0] =	sbarrier.arrive $0xFFFF  }
0x2f: {  	p0 =	sne.s32 s1, $0x0;
	_ =	strace $0x90000047  }
0x30: {  	s0 =	sadd.s32 @!p0 $0x100000, s0;
	[bflag:$0x2] =	sbarrier.arrive $0xFFFF  }
0x31: {  	[sflag:s0] =	ssyncadd.tile.s32 @!p0 $0x1;
	_ =	shalt  }
.Lfunc_end2:
_tile_overlayer_lowered:
.L_overlay_start_2:
0x32: {  	(tag) =	ssettag $0x2  }
0x33: {  	s0 =	rddreg [dreg:$0x0];
	s2 =	stileid.u32  }
0x34: {  	s1 =	rddreg [dreg:$0x1];
	p0 =	sne.s32 s2, $0x0  }
0x35: {  	s3 =	rddreg [dreg:$0x2];
	[bflag:$0x3] =	sbarrier.arrive $0xFFFF;
	s2 =	simm.s32 @!p0 $0x1C01  }
0x36: {  	[timem:s3], [sflag:s2] =	dma.local @!p0 [hbm:s0], s1  }
0x37: {  	s0 =	simm.s32 @!p0 $0x1  }
0x38: {  	_ =	swait.ge @!p0 [sflag:s0], s1  }
0x39: {  	s1 =	ssub.s32 @!p0 $0x0, s1;
	[sflag:s0] =	ssyncset.done @!p0 $0x0  }
0x3a: {  	[sflag:s0] =	ssyncadd.s32 @!p0 s1  }
0x3b: {  	[bflag:$0x3] =	sbarrier.arrive $0xFFFF  }
0x3c: {  	_ =	shalt  }

</sc_bundles>
